<compile_context>
chip_gen: v7x
topology: tpu7x:2x2x1
jax: 0.10.2.dev20260603
libtpu: 0.0.44.dev20260713+nightly
codegen_flags: <defaults>
</compile_context>

<pallas_src>
import functools

import jax
import jax.numpy as jnp
from jax import lax
from jax.experimental import pallas as pl
from jax.experimental.pallas import tpu as pltpu
from jax.experimental.pallas import tpu_sc as plsc

RT = 128
BT = 128


def _router_body(x_ref, wg_ref, bg_ref, ids_ref, rank_ref, counts_ref, run_ref):
    i = pl.program_id(0)

    @pl.when(i == 0)
    def _init():
        run_ref[...] = jnp.zeros_like(run_ref)

    ne = wg_ref.shape[1]
    x = x_ref[...]
    s = jnp.dot(x.astype(jnp.bfloat16), wg_ref[...].astype(jnp.bfloat16),
                preferred_element_type=jnp.float32)
    s = s + bg_ref[0:1, :]
    m = jnp.max(s, axis=1, keepdims=True)
    lane = lax.broadcasted_iota(jnp.int32, s.shape, 1)
    idx = jnp.min(jnp.where(s >= m, lane, ne), axis=1, keepdims=True)
    onehot = (lane == idx).astype(jnp.float32)
    r_iota = lax.broadcasted_iota(jnp.int32, (RT, RT), 0)
    c_iota = lax.broadcasted_iota(jnp.int32, (RT, RT), 1)
    tri = (r_iota >= c_iota).astype(jnp.float32)
    csum = jnp.dot(tri, onehot, preferred_element_type=jnp.float32)
    run = run_ref[0:1, :]
    rank = jnp.sum(onehot * (csum - 1.0 + run), axis=1, keepdims=True)
    ids_ref[...] = jnp.broadcast_to(idx, ids_ref.shape).astype(jnp.int32)
    rank_ref[...] = jnp.broadcast_to(rank.astype(jnp.int32), rank_ref.shape)
    new_run = run + jnp.sum(onehot, axis=0, keepdims=True)
    run_ref[0:1, :] = new_run

    @pl.when(i == pl.num_programs(0) - 1)
    def _fin():
        counts_ref[...] = jnp.broadcast_to(new_run, counts_ref.shape).astype(
            jnp.int32)


def _route(xf, wg, bg):
    n, emb = xf.shape
    ne = wg.shape[1]
    grid = n // RT
    bg2 = jnp.broadcast_to(bg[None, :], (8, ne))
    ids, rank, counts = pl.pallas_call(
        _router_body,
        grid=(grid,),
        in_specs=[
            pl.BlockSpec((RT, emb), lambda i: (i, 0)),
            pl.BlockSpec((emb, ne), lambda i: (0, 0)),
            pl.BlockSpec((8, ne), lambda i: (0, 0)),
        ],
        out_specs=[
            pl.BlockSpec((RT, 128), lambda i: (i, 0)),
            pl.BlockSpec((RT, 128), lambda i: (i, 0)),
            pl.BlockSpec((8, ne), lambda i: (0, 0)),
        ],
        out_shape=[
            jax.ShapeDtypeStruct((n, 128), jnp.int32),
            jax.ShapeDtypeStruct((n, 128), jnp.int32),
            jax.ShapeDtypeStruct((8, ne), jnp.int32),
        ],
        scratch_shapes=[pltpu.VMEM((8, ne), jnp.float32)],
    )(xf, wg, bg2)
    return ids[:, 0], rank[:, 0], counts[0]


def _sc_row_gather(table, idx, n_out, chunk):
    d = table.shape[1]
    info = plsc.get_sparse_core_info()
    nw = info.num_cores * info.num_subcores
    per_w = n_out // nw
    n_chunks_w = per_w // chunk
    mesh = plsc.VectorSubcoreMesh(core_axis_name="c", subcore_axis_name="s")

    @functools.partial(
        pl.kernel,
        out_type=jax.ShapeDtypeStruct((n_out, d), jnp.float32),
        mesh=mesh,
        scratch_types=[
            pltpu.VMEM((n_out,), jnp.int32),
            pltpu.VMEM((chunk, d), jnp.float32),
            pltpu.VMEM((chunk, d), jnp.float32),
            pltpu.SemaphoreType.DMA,
            pltpu.SemaphoreType.DMA,
        ],
    )
    def k(table_hbm, idx_hbm, out_hbm, idx_v, rows_v0, rows_v1, sem0, sem1):
        c = lax.axis_index("c")
        s = lax.axis_index("s")
        wid = s * info.num_cores + c
        pltpu.sync_copy(idx_hbm, idx_v)

        bufs = (rows_v0, rows_v1)
        sems = (sem0, sem1)

        def start(j):
            off = (wid + j * nw) * chunk
            return pltpu.async_copy(
                table_hbm.at[idx_v.at[pl.ds(off, chunk)]],
                bufs[j % 2], sems[j % 2])

        cps = {0: start(0)}
        for j in range(n_chunks_w):
            if j + 1 < n_chunks_w:
                cps[j + 1] = start(j + 1)
            cps.pop(j).wait()
            off = (wid + j * nw) * chunk
            pltpu.sync_copy(bufs[j % 2], out_hbm.at[pl.ds(off, chunk)])

    return k(table, idx)


def _gelu(v):
    return 0.5 * v * (1.0 + lax.erf(v * (2.0 ** -0.5)))


def _expert_body(be_ref, nb_ref, xs_ref, w1_ref, b1_ref, w2_ref, b2_ref,
                 w3_ref, b3_ref, out_ref):
    b = pl.program_id(0)

    @pl.when(b < nb_ref[0])
    def _run():
        bf = jnp.bfloat16

        def mm(a, w):
            return jnp.dot(a.astype(bf), w.astype(bf),
                           preferred_element_type=jnp.float32)

        x = xs_ref[...]
        h = _gelu(mm(x, w1_ref[0]) + b1_ref[0])
        h = _gelu(mm(h, w2_ref[0]) + b2_ref[0])
        out_ref[...] = mm(h, w3_ref[0]) + b3_ref[0]


def _expert_mlp(xs, w1, b1, w2, b2, w3, b3, block_expert, nblocks, maxb):
    pt, emb = xs.shape
    ne, _, hid = w1.shape
    hid2 = w2.shape[2]
    nb = jnp.reshape(nblocks, (1,)).astype(jnp.int32)

    def x_map(b, be, nbr):
        i = jnp.minimum(b, nbr[0] - 1)
        return (i, 0)

    def w_map(b, be, nbr):
        return (be[b], 0, 0)

    grid_spec = pltpu.PrefetchScalarGridSpec(
        num_scalar_prefetch=2,
        grid=(maxb,),
        in_specs=[
            pl.BlockSpec((BT, emb), x_map),
            pl.BlockSpec((1, emb, hid), w_map),
            pl.BlockSpec((1, 1, hid), w_map),
            pl.BlockSpec((1, hid, hid2), w_map),
            pl.BlockSpec((1, 1, hid2), w_map),
            pl.BlockSpec((1, hid2, emb), w_map),
            pl.BlockSpec((1, 1, emb), w_map),
        ],
        out_specs=pl.BlockSpec((BT, emb), x_map),
    )
    return pl.pallas_call(
        _expert_body,
        grid_spec=grid_spec,
        out_shape=jax.ShapeDtypeStruct((pt, emb), jnp.float32),
    )(block_expert, nb, xs, w1, b1[:, None, :], w2, b2[:, None, :],
      w3, b3[:, None, :])


def kernel(x, Wg, bg, W1, b1, W2, b2, W3, b3):
    bsz, n, emb = x.shape
    ne = Wg.shape[1]
    tokens = bsz * n
    xf = x.reshape(tokens, emb)

    ids, rank, counts = _route(xf, Wg, bg)

    maxb = tokens // BT + ne
    pt = maxb * BT
    blocks_per = (counts + BT - 1) // BT
    cumblocks = jnp.cumsum(blocks_per)
    nblocks = cumblocks[-1]
    barange = jnp.arange(maxb, dtype=jnp.int32)
    be_raw = jnp.searchsorted(cumblocks, barange, side="right").astype(jnp.int32)
    be_raw = jnp.minimum(be_raw, ne - 1)
    be_last = be_raw[jnp.maximum(nblocks - 1, 0)]
    block_expert = jnp.where(barange < nblocks, be_raw, be_last)
    pstart = (cumblocks - blocks_per) * BT
    pos = pstart[ids] + rank
    src = (jnp.arange(pt, dtype=jnp.int32) % tokens).at[pos].set(
        jnp.arange(tokens, dtype=jnp.int32))

    xs = _sc_row_gather(xf, src, pt, 32)
    ys = _expert_mlp(xs, W1, b1, W2, b2, W3, b3, block_expert, nblocks, maxb)
    out = _sc_row_gather(ys, pos.astype(jnp.int32), tokens, 32)
    return out.reshape(bsz, n, emb)

# --- scband reference (transcript-rebuilt; emitter-appended) ---
"""Pipeline reference for scband-mo-e-7043746365556 (READ-ONLY COPY).

The authoritative reference and input builder live on the scoring server;
editing this copy changes nothing except your own understanding.
"""

import jax, jax.numpy as jnp
import numpy as np

EMB = 1024
NUM_EXPERTS = 64
TOP_K = 1
HID = 512
HID2 = 1024
B, N = 2, 2048


def setup_inputs(seed: int = 0):
    key = jax.random.key(seed)
    ks = jax.random.split(key, 8)
    x = jax.random.normal(ks[0], (B, N, EMB), dtype=jnp.float32)
    Wg = jax.random.normal(ks[1], (EMB, NUM_EXPERTS), dtype=jnp.float32) * 0.02
    bg = jnp.zeros((NUM_EXPERTS,), dtype=jnp.float32)
    W1 = jax.random.normal(ks[2], (NUM_EXPERTS, EMB, HID), dtype=jnp.float32) * 0.02
    b1 = jnp.zeros((NUM_EXPERTS, HID), dtype=jnp.float32)
    W2 = jax.random.normal(ks[3], (NUM_EXPERTS, HID, HID2), dtype=jnp.float32) * 0.02
    b2 = jnp.zeros((NUM_EXPERTS, HID2), dtype=jnp.float32)
    W3 = jax.random.normal(ks[4], (NUM_EXPERTS, HID2, EMB), dtype=jnp.float32) * 0.02
    b3 = jnp.zeros((NUM_EXPERTS, EMB), dtype=jnp.float32)
    return {"x": x, "Wg": Wg, "bg": bg, "W1": W1, "b1": b1,
            "W2": W2, "b2": b2, "W3": W3, "b3": b3}


def reference(x, Wg, bg, W1, b1, W2, b2, W3, b3):
    Bs, Ns, Es = x.shape
    xf = x.reshape(-1, Es)
    scores = xf @ Wg + bg
    topk_vals, topk_idx = jax.lax.top_k(scores, TOP_K)
    gates = jax.nn.softmax(topk_vals, axis=-1)
    out = jnp.zeros_like(xf)
    for i in range(TOP_K):
        g = gates[:, i:i + 1]
        idx_i = topk_idx[:, i]
        for e in range(NUM_EXPERTS):
            mask = (idx_i == e)[:, None].astype(xf.dtype)
            h = jax.nn.gelu(xf @ W1[e] + b1[e], approximate=False)
            h = jax.nn.gelu(h @ W2[e] + b2[e], approximate=False)
            oe = h @ W3[e] + b3[e]
            out = out + mask * (g * oe)
    return out.reshape(Bs, Ns, Es)

if __name__ == "__main__":
    import jax
    _d = setup_inputs()
    print(jax.jit(kernel)(*tuple(_d.values())))

</pallas_src>

<mosaic_0001>
#map = affine_map<(d0, d1) -> (0, 0)>
#map1 = affine_map<(d0, d1) -> (0)>
module attributes {stable_mosaic.version = 14 : i64} {
  func.func @k(%arg0: i32, %arg1: i32, %arg2: memref<4096x1024xf32, #tpu.memory_space<hbm>>, %arg3: memref<12288xi32, #tpu.memory_space<hbm>>, %arg4: memref<12288x1024xf32, #tpu.memory_space<hbm>>, %arg5: memref<12288xi32, #tpu.memory_space<vmem>>, %arg6: memref<32x1024xf32, #tpu.memory_space<vmem>>, %arg7: memref<32x1024xf32, #tpu.memory_space<vmem>>, %arg8: memref<!tpu.dma_semaphore, #tpu.memory_space<semaphore_mem>>, %arg9: memref<!tpu.dma_semaphore, #tpu.memory_space<semaphore_mem>>) attributes {dimension_semantics = [#tpu.dimension_semantics<core_parallel>, #tpu.dimension_semantics<subcore_parallel>], iteration_bounds = array<i64: 2, 16>, scalar_prefetch = 0 : i64, scratch_operands = 5 : i64, tpu.core_type = #tpu.core_type<sc_vector_subcore>, window_params = [{transform_indices = #map}, {transform_indices = #map1}, {transform_indices = #map}]} {
    %mul3A = arith.constant 2 : i32
    %mul3A_0 = arith.muli %arg1, %mul3A : i32
    %add3A = arith.addi %mul3A_0, %arg0 : i32
    "tpu.region"() ({
      %run_scoped3A = tpu.sem_alloc : memref<!tpu.dma_semaphore, #tpu.memory_space<semaphore_mem>>
      tpu.enqueue_dma source(%arg3 : memref<12288xi32, #tpu.memory_space<hbm>>) target(%arg5 : memref<12288xi32, #tpu.memory_space<vmem>>) target_semaphore(%run_scoped3A : memref<!tpu.dma_semaphore, #tpu.memory_space<semaphore_mem>>)
      tpu.wait_dma2 semaphore(%run_scoped3A : memref<!tpu.dma_semaphore, #tpu.memory_space<semaphore_mem>>) src(%arg3 : memref<12288xi32, #tpu.memory_space<hbm>>) dst(%arg5 : memref<12288xi32, #tpu.memory_space<vmem>>)
      tpu.yield
    }) : () -> ()
    %add3A_1 = arith.constant 0 : i32
    %add3A_2 = arith.addi %add3A, %add3A_1 : i32
    %mul3A_3 = arith.constant 32 : i32
    %mul3A_4 = arith.muli %add3A_2, %mul3A_3 : i32
    %dma_start3A = tpu.memref_slice %arg5[%mul3A_4] : memref<12288xi32, #tpu.memory_space<vmem>> -> memref<32xi32, #tpu.memory_space<vmem>>
    %dma_start3A_5 = arith.constant 0 : i32
    %dma_start3A_6 = arith.constant 0 : i32
    %dma_start3A_7 = tpu.memref_slice %arg2[%dma_start3A_5, %dma_start3A_6] : memref<4096x1024xf32, #tpu.memory_space<hbm>> -> memref<4096x1024xf32, #tpu.memory_space<hbm>>
    tpu.enqueue_indirect_dma source(%dma_start3A_7 : memref<4096x1024xf32, #tpu.memory_space<hbm>>) target(%arg6 : memref<32x1024xf32, #tpu.memory_space<vmem>>) offsets(%dma_start3A : memref<32xi32, #tpu.memory_space<vmem>>) semaphore(%arg8 : memref<!tpu.dma_semaphore, #tpu.memory_space<semaphore_mem>>)
    %add3A_8 = arith.constant 32 : i32
    %add3A_9 = arith.addi %add3A, %add3A_8 : i32
    %mul3A_10 = arith.constant 32 : i32
    %mul3A_11 = arith.muli %add3A_9, %mul3A_10 : i32
    %dma_start3A_12 = tpu.memref_slice %arg5[%mul3A_11] : memref<12288xi32, #tpu.memory_space<vmem>> -> memref<32xi32, #tpu.memory_space<vmem>>
    %dma_start3A_13 = arith.constant 0 : i32
    %dma_start3A_14 = arith.constant 0 : i32
    %dma_start3A_15 = tpu.memref_slice %arg2[%dma_start3A_13, %dma_start3A_14] : memref<4096x1024xf32, #tpu.memory_space<hbm>> -> memref<4096x1024xf32, #tpu.memory_space<hbm>>
    tpu.enqueue_indirect_dma source(%dma_start3A_15 : memref<4096x1024xf32, #tpu.memory_space<hbm>>) target(%arg7 : memref<32x1024xf32, #tpu.memory_space<vmem>>) offsets(%dma_start3A_12 : memref<32xi32, #tpu.memory_space<vmem>>) semaphore(%arg9 : memref<!tpu.dma_semaphore, #tpu.memory_space<semaphore_mem>>)
    %dma_wait3A = tpu.memref_slice %arg5[%mul3A_4] : memref<12288xi32, #tpu.memory_space<vmem>> -> memref<32xi32, #tpu.memory_space<vmem>>
    %dma_wait3A_16 = arith.constant 0 : i32
    %dma_wait3A_17 = arith.constant 0 : i32
    %dma_wait3A_18 = tpu.memref_slice %arg2[%dma_wait3A_16, %dma_wait3A_17] : memref<4096x1024xf32, #tpu.memory_space<hbm>> -> memref<4096x1024xf32, #tpu.memory_space<hbm>>
    tpu.wait_indirect_dma semaphore(%arg8 : memref<!tpu.dma_semaphore, #tpu.memory_space<semaphore_mem>>) src(%dma_wait3A_18 : memref<4096x1024xf32, #tpu.memory_space<hbm>>) dst(%arg6 : memref<32x1024xf32, #tpu.memory_space<vmem>>)
    %add3A_19 = arith.constant 0 : i32
    %add3A_20 = arith.addi %add3A, %add3A_19 : i32
    %mul3A_21 = arith.constant 32 : i32
    %mul3A_22 = arith.muli %add3A_20, %mul3A_21 : i32
    "tpu.region"() ({
      %run_scoped3A = tpu.sem_alloc : memref<!tpu.dma_semaphore, #tpu.memory_space<semaphore_mem>>
      %dma_start3A_191 = arith.constant 0 : i32
      %dma_start3A_192 = tpu.memref_slice %arg4[%mul3A_22, %dma_start3A_191] : memref<12288x1024xf32, #tpu.memory_space<hbm>> -> memref<32x1024xf32, #tpu.memory_space<hbm>>
      %dma_start3A_193 = arith.constant 0 : i32
      %dma_start3A_194 = tpu.memref_slice %arg4[%mul3A_22, %dma_start3A_193] : memref<12288x1024xf32, #tpu.memory_space<hbm>> -> memref<32x1024xf32, #tpu.memory_space<hbm>>
      tpu.enqueue_dma source(%arg6 : memref<32x1024xf32, #tpu.memory_space<vmem>>) target(%dma_start3A_194 : memref<32x1024xf32, #tpu.memory_space<hbm>>) target_semaphore(%run_scoped3A : memref<!tpu.dma_semaphore, #tpu.memory_space<semaphore_mem>>)
      %dma_wait3A_195 = arith.constant 0 : i32
      %dma_wait3A_196 = tpu.memref_slice %arg4[%mul3A_22, %dma_wait3A_195] : memref<12288x1024xf32, #tpu.memory_space<hbm>> -> memref<32x1024xf32, #tpu.memory_space<hbm>>
      %dma_wait3A_197 = arith.constant 0 : i32
      %dma_wait3A_198 = tpu.memref_slice %arg4[%mul3A_22, %dma_wait3A_197] : memref<12288x1024xf32, #tpu.memory_space<hbm>> -> memref<32x1024xf32, #tpu.memory_space<hbm>>
      tpu.wait_dma2 semaphore(%run_scoped3A : memref<!tpu.dma_semaphore, #tpu.memory_space<semaphore_mem>>) src(%arg6 : memref<32x1024xf32, #tpu.memory_space<vmem>>) dst(%dma_wait3A_198 : memref<32x1024xf32, #tpu.memory_space<hbm>>)
      tpu.yield
    }) : () -> ()
    %add3A_23 = arith.constant 64 : i32
    %add3A_24 = arith.addi %add3A, %add3A_23 : i32
    %mul3A_25 = arith.constant 32 : i32
    %mul3A_26 = arith.muli %add3A_24, %mul3A_25 : i32
    %dma_start3A_27 = tpu.memref_slice %arg5[%mul3A_26] : memref<12288xi32, #tpu.memory_space<vmem>> -> memref<32xi32, #tpu.memory_space<vmem>>
    %dma_start3A_28 = arith.constant 0 : i32
    %dma_start3A_29 = arith.constant 0 : i32
    %dma_start3A_30 = tpu.memref_slice %arg2[%dma_start3A_28, %dma_start3A_29] : memref<4096x1024xf32, #tpu.memory_space<hbm>> -> memref<4096x1024xf32, #tpu.memory_space<hbm>>
    tpu.enqueue_indirect_dma source(%dma_start3A_30 : memref<4096x1024xf32, #tpu.memory_space<hbm>>) target(%arg6 : memref<32x1024xf32, #tpu.memory_space<vmem>>) offsets(%dma_start3A_27 : memref<32xi32, #tpu.memory_space<vmem>>) semaphore(%arg8 : memref<!tpu.dma_semaphore, #tpu.memory_space<semaphore_mem>>)
    %dma_wait3A_31 = tpu.memref_slice %arg5[%mul3A_11] : memref<12288xi32, #tpu.memory_space<vmem>> -> memref<32xi32, #tpu.memory_space<vmem>>
    %dma_wait3A_32 = arith.constant 0 : i32
    %dma_wait3A_33 = arith.constant 0 : i32
    %dma_wait3A_34 = tpu.memref_slice %arg2[%dma_wait3A_32, %dma_wait3A_33] : memref<4096x1024xf32, #tpu.memory_space<hbm>> -> memref<4096x1024xf32, #tpu.memory_space<hbm>>
    tpu.wait_indirect_dma semaphore(%arg9 : memref<!tpu.dma_semaphore, #tpu.memory_space<semaphore_mem>>) src(%dma_wait3A_34 : memref<4096x1024xf32, #tpu.memory_space<hbm>>) dst(%arg7 : memref<32x1024xf32, #tpu.memory_space<vmem>>)
    %add3A_35 = arith.constant 32 : i32
    %add3A_36 = arith.addi %add3A, %add3A_35 : i32
    %mul3A_37 = arith.constant 32 : i32
    %mul3A_38 = arith.muli %add3A_36, %mul3A_37 : i32
    "tpu.region"() ({
      %run_scoped3A = tpu.sem_alloc : memref<!tpu.dma_semaphore, #tpu.memory_space<semaphore_mem>>
      %dma_start3A_191 = arith.constant 0 : i32
      %dma_start3A_192 = tpu.memref_slice %arg4[%mul3A_38, %dma_start3A_191] : memref<12288x1024xf32, #tpu.memory_space<hbm>> -> memref<32x1024xf32, #tpu.memory_space<hbm>>
      %dma_start3A_193 = arith.constant 0 : i32
      %dma_start3A_194 = tpu.memref_slice %arg4[%mul3A_38, %dma_start3A_193] : memref<12288x1024xf32, #tpu.memory_space<hbm>> -> memref<32x1024xf32, #tpu.memory_space<hbm>>
      tpu.enqueue_dma source(%arg7 : memref<32x1024xf32, #tpu.memory_space<vmem>>) target(%dma_start3A_194 : memref<32x1024xf32, #tpu.memory_space<hbm>>) target_semaphore(%run_scoped3A : memref<!tpu.dma_semaphore, #tpu.memory_space<semaphore_mem>>)
      %dma_wait3A_195 = arith.constant 0 : i32
      %dma_wait3A_196 = tpu.memref_slice %arg4[%mul3A_38, %dma_wait3A_195] : memref<12288x1024xf32, #tpu.memory_space<hbm>> -> memref<32x1024xf32, #tpu.memory_space<hbm>>
      %dma_wait3A_197 = arith.constant 0 : i32
      %dma_wait3A_198 = tpu.memref_slice %arg4[%mul3A_38, %dma_wait3A_197] : memref<12288x1024xf32, #tpu.memory_space<hbm>> -> memref<32x1024xf32, #tpu.memory_space<hbm>>
      tpu.wait_dma2 semaphore(%run_scoped3A : memref<!tpu.dma_semaphore, #tpu.memory_space<semaphore_mem>>) src(%arg7 : memref<32x1024xf32, #tpu.memory_space<vmem>>) dst(%dma_wait3A_198 : memref<32x1024xf32, #tpu.memory_space<hbm>>)
      tpu.yield
    }) : () -> ()
    %add3A_39 = arith.constant 96 : i32
    %add3A_40 = arith.addi %add3A, %add3A_39 : i32
    %mul3A_41 = arith.constant 32 : i32
    %mul3A_42 = arith.muli %add3A_40, %mul3A_41 : i32
    %dma_start3A_43 = tpu.memref_slice %arg5[%mul3A_42] : memref<12288xi32, #tpu.memory_space<vmem>> -> memref<32xi32, #tpu.memory_space<vmem>>
    %dma_start3A_44 = arith.constant 0 : i32
    %dma_start3A_45 = arith.constant 0 : i32
    %dma_start3A_46 = tpu.memref_slice %arg2[%dma_start3A_44, %dma_start3A_45] : memref<4096x1024xf32, #tpu.memory_space<hbm>> -> memref<4096x1024xf32, #tpu.memory_space<hbm>>
    tpu.enqueue_indirect_dma source(%dma_start3A_46 : memref<4096x1024xf32, #tpu.memory_space<hbm>>) target(%arg7 : memref<32x1024xf32, #tpu.memory_space<vmem>>) offsets(%dma_start3A_43 : memref<32xi32, #tpu.memory_space<vmem>>) semaphore(%arg9 : memref<!tpu.dma_semaphore, #tpu.memory_space<semaphore_mem>>)
    %dma_wait3A_47 = tpu.memref_slice %arg5[%mul3A_26] : memref<12288xi32, #tpu.memory_space<vmem>> -> memref<32xi32, #tpu.memory_space<vmem>>
    %dma_wait3A_48 = arith.constant 0 : i32
    %dma_wait3A_49 = arith.constant 0 : i32
    %dma_wait3A_50 = tpu.memref_slice %arg2[%dma_wait3A_48, %dma_wait3A_49] : memref<4096x1024xf32, #tpu.memory_space<hbm>> -> memref<4096x1024xf32, #tpu.memory_space<hbm>>
    tpu.wait_indirect_dma semaphore(%arg8 : memref<!tpu.dma_semaphore, #tpu.memory_space<semaphore_mem>>) src(%dma_wait3A_50 : memref<4096x1024xf32, #tpu.memory_space<hbm>>) dst(%arg6 : memref<32x1024xf32, #tpu.memory_space<vmem>>)
    %add3A_51 = arith.constant 64 : i32
    %add3A_52 = arith.addi %add3A, %add3A_51 : i32
    %mul3A_53 = arith.constant 32 : i32
    %mul3A_54 = arith.muli %add3A_52, %mul3A_53 : i32
    "tpu.region"() ({
      %run_scoped3A = tpu.sem_alloc : memref<!tpu.dma_semaphore, #tpu.memory_space<semaphore_mem>>
      %dma_start3A_191 = arith.constant 0 : i32
      %dma_start3A_192 = tpu.memref_slice %arg4[%mul3A_54, %dma_start3A_191] : memref<12288x1024xf32, #tpu.memory_space<hbm>> -> memref<32x1024xf32, #tpu.memory_space<hbm>>
      %dma_start3A_193 = arith.constant 0 : i32
      %dma_start3A_194 = tpu.memref_slice %arg4[%mul3A_54, %dma_start3A_193] : memref<12288x1024xf32, #tpu.memory_space<hbm>> -> memref<32x1024xf32, #tpu.memory_space<hbm>>
      tpu.enqueue_dma source(%arg6 : memref<32x1024xf32, #tpu.memory_space<vmem>>) target(%dma_start3A_194 : memref<32x1024xf32, #tpu.memory_space<hbm>>) target_semaphore(%run_scoped3A : memref<!tpu.dma_semaphore, #tpu.memory_space<semaphore_mem>>)
      %dma_wait3A_195 = arith.constant 0 : i32
      %dma_wait3A_196 = tpu.memref_slice %arg4[%mul3A_54, %dma_wait3A_195] : memref<12288x1024xf32, #tpu.memory_space<hbm>> -> memref<32x1024xf32, #tpu.memory_space<hbm>>
      %dma_wait3A_197 = arith.constant 0 : i32
      %dma_wait3A_198 = tpu.memref_slice %arg4[%mul3A_54, %dma_wait3A_197] : memref<12288x1024xf32, #tpu.memory_space<hbm>> -> memref<32x1024xf32, #tpu.memory_space<hbm>>
      tpu.wait_dma2 semaphore(%run_scoped3A : memref<!tpu.dma_semaphore, #tpu.memory_space<semaphore_mem>>) src(%arg6 : memref<32x1024xf32, #tpu.memory_space<vmem>>) dst(%dma_wait3A_198 : memref<32x1024xf32, #tpu.memory_space<hbm>>)
      tpu.yield
    }) : () -> ()
    %add3A_55 = arith.constant 128 : i32
    %add3A_56 = arith.addi %add3A, %add3A_55 : i32
    %mul3A_57 = arith.constant 32 : i32
    %mul3A_58 = arith.muli %add3A_56, %mul3A_57 : i32
    %dma_start3A_59 = tpu.memref_slice %arg5[%mul3A_58] : memref<12288xi32, #tpu.memory_space<vmem>> -> memref<32xi32, #tpu.memory_space<vmem>>
    %dma_start3A_60 = arith.constant 0 : i32
    %dma_start3A_61 = arith.constant 0 : i32
    %dma_start3A_62 = tpu.memref_slice %arg2[%dma_start3A_60, %dma_start3A_61] : memref<4096x1024xf32, #tpu.memory_space<hbm>> -> memref<4096x1024xf32, #tpu.memory_space<hbm>>
    tpu.enqueue_indirect_dma source(%dma_start3A_62 : memref<4096x1024xf32, #tpu.memory_space<hbm>>) target(%arg6 : memref<32x1024xf32, #tpu.memory_space<vmem>>) offsets(%dma_start3A_59 : memref<32xi32, #tpu.memory_space<vmem>>) semaphore(%arg8 : memref<!tpu.dma_semaphore, #tpu.memory_space<semaphore_mem>>)
    %dma_wait3A_63 = tpu.memref_slice %arg5[%mul3A_42] : memref<12288xi32, #tpu.memory_space<vmem>> -> memref<32xi32, #tpu.memory_space<vmem>>
    %dma_wait3A_64 = arith.constant 0 : i32
    %dma_wait3A_65 = arith.constant 0 : i32
    %dma_wait3A_66 = tpu.memref_slice %arg2[%dma_wait3A_64, %dma_wait3A_65] : memref<4096x1024xf32, #tpu.memory_space<hbm>> -> memref<4096x1024xf32, #tpu.memory_space<hbm>>
    tpu.wait_indirect_dma semaphore(%arg9 : memref<!tpu.dma_semaphore, #tpu.memory_space<semaphore_mem>>) src(%dma_wait3A_66 : memref<4096x1024xf32, #tpu.memory_space<hbm>>) dst(%arg7 : memref<32x1024xf32, #tpu.memory_space<vmem>>)
    %add3A_67 = arith.constant 96 : i32
    %add3A_68 = arith.addi %add3A, %add3A_67 : i32
    %mul3A_69 = arith.constant 32 : i32
    %mul3A_70 = arith.muli %add3A_68, %mul3A_69 : i32
    "tpu.region"() ({
      %run_scoped3A = tpu.sem_alloc : memref<!tpu.dma_semaphore, #tpu.memory_space<semaphore_mem>>
      %dma_start3A_191 = arith.constant 0 : i32
      %dma_start3A_192 = tpu.memref_slice %arg4[%mul3A_70, %dma_start3A_191] : memref<12288x1024xf32, #tpu.memory_space<hbm>> -> memref<32x1024xf32, #tpu.memory_space<hbm>>
      %dma_start3A_193 = arith.constant 0 : i32
      %dma_start3A_194 = tpu.memref_slice %arg4[%mul3A_70, %dma_start3A_193] : memref<12288x1024xf32, #tpu.memory_space<hbm>> -> memref<32x1024xf32, #tpu.memory_space<hbm>>
      tpu.enqueue_dma source(%arg7 : memref<32x1024xf32, #tpu.memory_space<vmem>>) target(%dma_start3A_194 : memref<32x1024xf32, #tpu.memory_space<hbm>>) target_semaphore(%run_scoped3A : memref<!tpu.dma_semaphore, #tpu.memory_space<semaphore_mem>>)
      %dma_wait3A_195 = arith.constant 0 : i32
      %dma_wait3A_196 = tpu.memref_slice %arg4[%mul3A_70, %dma_wait3A_195] : memref<12288x1024xf32, #tpu.memory_space<hbm>> -> memref<32x1024xf32, #tpu.memory_space<hbm>>
      %dma_wait3A_197 = arith.constant 0 : i32
      %dma_wait3A_198 = tpu.memref_slice %arg4[%mul3A_70, %dma_wait3A_197] : memref<12288x1024xf32, #tpu.memory_space<hbm>> -> memref<32x1024xf32, #tpu.memory_space<hbm>>
      tpu.wait_dma2 semaphore(%run_scoped3A : memref<!tpu.dma_semaphore, #tpu.memory_space<semaphore_mem>>) src(%arg7 : memref<32x1024xf32, #tpu.memory_space<vmem>>) dst(%dma_wait3A_198 : memref<32x1024xf32, #tpu.memory_space<hbm>>)
      tpu.yield
    }) : () -> ()
    %add3A_71 = arith.constant 160 : i32
    %add3A_72 = arith.addi %add3A, %add3A_71 : i32
    %mul3A_73 = arith.constant 32 : i32
    %mul3A_74 = arith.muli %add3A_72, %mul3A_73 : i32
    %dma_start3A_75 = tpu.memref_slice %arg5[%mul3A_74] : memref<12288xi32, #tpu.memory_space<vmem>> -> memref<32xi32, #tpu.memory_space<vmem>>
    %dma_start3A_76 = arith.constant 0 : i32
    %dma_start3A_77 = arith.constant 0 : i32
    %dma_start3A_78 = tpu.memref_slice %arg2[%dma_start3A_76, %dma_start3A_77] : memref<4096x1024xf32, #tpu.memory_space<hbm>> -> memref<4096x1024xf32, #tpu.memory_space<hbm>>
    tpu.enqueue_indirect_dma source(%dma_start3A_78 : memref<4096x1024xf32, #tpu.memory_space<hbm>>) target(%arg7 : memref<32x1024xf32, #tpu.memory_space<vmem>>) offsets(%dma_start3A_75 : memref<32xi32, #tpu.memory_space<vmem>>) semaphore(%arg9 : memref<!tpu.dma_semaphore, #tpu.memory_space<semaphore_mem>>)
    %dma_wait3A_79 = tpu.memref_slice %arg5[%mul3A_58] : memref<12288xi32, #tpu.memory_space<vmem>> -> memref<32xi32, #tpu.memory_space<vmem>>
    %dma_wait3A_80 = arith.constant 0 : i32
    %dma_wait3A_81 = arith.constant 0 : i32
    %dma_wait3A_82 = tpu.memref_slice %arg2[%dma_wait3A_80, %dma_wait3A_81] : memref<4096x1024xf32, #tpu.memory_space<hbm>> -> memref<4096x1024xf32, #tpu.memory_space<hbm>>
    tpu.wait_indirect_dma semaphore(%arg8 : memref<!tpu.dma_semaphore, #tpu.memory_space<semaphore_mem>>) src(%dma_wait3A_82 : memref<4096x1024xf32, #tpu.memory_space<hbm>>) dst(%arg6 : memref<32x1024xf32, #tpu.memory_space<vmem>>)
    %add3A_83 = arith.constant 128 : i32
    %add3A_84 = arith.addi %add3A, %add3A_83 : i32
    %mul3A_85 = arith.constant 32 : i32
    %mul3A_86 = arith.muli %add3A_84, %mul3A_85 : i32
    "tpu.region"() ({
      %run_scoped3A = tpu.sem_alloc : memref<!tpu.dma_semaphore, #tpu.memory_space<semaphore_mem>>
      %dma_start3A_191 = arith.constant 0 : i32
      %dma_start3A_192 = tpu.memref_slice %arg4[%mul3A_86, %dma_start3A_191] : memref<12288x1024xf32, #tpu.memory_space<hbm>> -> memref<32x1024xf32, #tpu.memory_space<hbm>>
      %dma_start3A_193 = arith.constant 0 : i32
      %dma_start3A_194 = tpu.memref_slice %arg4[%mul3A_86, %dma_start3A_193] : memref<12288x1024xf32, #tpu.memory_space<hbm>> -> memref<32x1024xf32, #tpu.memory_space<hbm>>
      tpu.enqueue_dma source(%arg6 : memref<32x1024xf32, #tpu.memory_space<vmem>>) target(%dma_start3A_194 : memref<32x1024xf32, #tpu.memory_space<hbm>>) target_semaphore(%run_scoped3A : memref<!tpu.dma_semaphore, #tpu.memory_space<semaphore_mem>>)
      %dma_wait3A_195 = arith.constant 0 : i32
      %dma_wait3A_196 = tpu.memref_slice %arg4[%mul3A_86, %dma_wait3A_195] : memref<12288x1024xf32, #tpu.memory_space<hbm>> -> memref<32x1024xf32, #tpu.memory_space<hbm>>
      %dma_wait3A_197 = arith.constant 0 : i32
      %dma_wait3A_198 = tpu.memref_slice %arg4[%mul3A_86, %dma_wait3A_197] : memref<12288x1024xf32, #tpu.memory_space<hbm>> -> memref<32x1024xf32, #tpu.memory_space<hbm>>
      tpu.wait_dma2 semaphore(%run_scoped3A : memref<!tpu.dma_semaphore, #tpu.memory_space<semaphore_mem>>) src(%arg6 : memref<32x1024xf32, #tpu.memory_space<vmem>>) dst(%dma_wait3A_198 : memref<32x1024xf32, #tpu.memory_space<hbm>>)
      tpu.yield
    }) : () -> ()
    %add3A_87 = arith.constant 192 : i32
    %add3A_88 = arith.addi %add3A, %add3A_87 : i32
    %mul3A_89 = arith.constant 32 : i32
    %mul3A_90 = arith.muli %add3A_88, %mul3A_89 : i32
    %dma_start3A_91 = tpu.memref_slice %arg5[%mul3A_90] : memref<12288xi32, #tpu.memory_space<vmem>> -> memref<32xi32, #tpu.memory_space<vmem>>
    %dma_start3A_92 = arith.constant 0 : i32
    %dma_start3A_93 = arith.constant 0 : i32
    %dma_start3A_94 = tpu.memref_slice %arg2[%dma_start3A_92, %dma_start3A_93] : memref<4096x1024xf32, #tpu.memory_space<hbm>> -> memref<4096x1024xf32, #tpu.memory_space<hbm>>
    tpu.enqueue_indirect_dma source(%dma_start3A_94 : memref<4096x1024xf32, #tpu.memory_space<hbm>>) target(%arg6 : memref<32x1024xf32, #tpu.memory_space<vmem>>) offsets(%dma_start3A_91 : memref<32xi32, #tpu.memory_space<vmem>>) semaphore(%arg8 : memref<!tpu.dma_semaphore, #tpu.memory_space<semaphore_mem>>)
    %dma_wait3A_95 = tpu.memref_slice %arg5[%mul3A_74] : memref<12288xi32, #tpu.memory_space<vmem>> -> memref<32xi32, #tpu.memory_space<vmem>>
    %dma_wait3A_96 = arith.constant 0 : i32
    %dma_wait3A_97 = arith.constant 0 : i32
    %dma_wait3A_98 = tpu.memref_slice %arg2[%dma_wait3A_96, %dma_wait3A_97] : memref<4096x1024xf32, #tpu.memory_space<hbm>> -> memref<4096x1024xf32, #tpu.memory_space<hbm>>
    tpu.wait_indirect_dma semaphore(%arg9 : memref<!tpu.dma_semaphore, #tpu.memory_space<semaphore_mem>>) src(%dma_wait3A_98 : memref<4096x1024xf32, #tpu.memory_space<hbm>>) dst(%arg7 : memref<32x1024xf32, #tpu.memory_space<vmem>>)
    %add3A_99 = arith.constant 160 : i32
    %add3A_100 = arith.addi %add3A, %add3A_99 : i32
    %mul3A_101 = arith.constant 32 : i32
    %mul3A_102 = arith.muli %add3A_100, %mul3A_101 : i32
    "tpu.region"() ({
      %run_scoped3A = tpu.sem_alloc : memref<!tpu.dma_semaphore, #tpu.memory_space<semaphore_mem>>
      %dma_start3A_191 = arith.constant 0 : i32
      %dma_start3A_192 = tpu.memref_slice %arg4[%mul3A_102, %dma_start3A_191] : memref<12288x1024xf32, #tpu.memory_space<hbm>> -> memref<32x1024xf32, #tpu.memory_space<hbm>>
      %dma_start3A_193 = arith.constant 0 : i32
      %dma_start3A_194 = tpu.memref_slice %arg4[%mul3A_102, %dma_start3A_193] : memref<12288x1024xf32, #tpu.memory_space<hbm>> -> memref<32x1024xf32, #tpu.memory_space<hbm>>
      tpu.enqueue_dma source(%arg7 : memref<32x1024xf32, #tpu.memory_space<vmem>>) target(%dma_start3A_194 : memref<32x1024xf32, #tpu.memory_space<hbm>>) target_semaphore(%run_scoped3A : memref<!tpu.dma_semaphore, #tpu.memory_space<semaphore_mem>>)
      %dma_wait3A_195 = arith.constant 0 : i32
      %dma_wait3A_196 = tpu.memref_slice %arg4[%mul3A_102, %dma_wait3A_195] : memref<12288x1024xf32, #tpu.memory_space<hbm>> -> memref<32x1024xf32, #tpu.memory_space<hbm>>
      %dma_wait3A_197 = arith.constant 0 : i32
      %dma_wait3A_198 = tpu.memref_slice %arg4[%mul3A_102, %dma_wait3A_197] : memref<12288x1024xf32, #tpu.memory_space<hbm>> -> memref<32x1024xf32, #tpu.memory_space<hbm>>
      tpu.wait_dma2 semaphore(%run_scoped3A : memref<!tpu.dma_semaphore, #tpu.memory_space<semaphore_mem>>) src(%arg7 : memref<32x1024xf32, #tpu.memory_space<vmem>>) dst(%dma_wait3A_198 : memref<32x1024xf32, #tpu.memory_space<hbm>>)
      tpu.yield
    }) : () -> ()
    %add3A_103 = arith.constant 224 : i32
    %add3A_104 = arith.addi %add3A, %add3A_103 : i32
    %mul3A_105 = arith.constant 32 : i32
    %mul3A_106 = arith.muli %add3A_104, %mul3A_105 : i32
    %dma_start3A_107 = tpu.memref_slice %arg5[%mul3A_106] : memref<12288xi32, #tpu.memory_space<vmem>> -> memref<32xi32, #tpu.memory_space<vmem>>
    %dma_start3A_108 = arith.constant 0 : i32
    %dma_start3A_109 = arith.constant 0 : i32
    %dma_start3A_110 = tpu.memref_slice %arg2[%dma_start3A_108, %dma_start3A_109] : memref<4096x1024xf32, #tpu.memory_space<hbm>> -> memref<4096x1024xf32, #tpu.memory_space<hbm>>
    tpu.enqueue_indirect_dma source(%dma_start3A_110 : memref<4096x1024xf32, #tpu.memory_space<hbm>>) target(%arg7 : memref<32x1024xf32, #tpu.memory_space<vmem>>) offsets(%dma_start3A_107 : memref<32xi32, #tpu.memory_space<vmem>>) semaphore(%arg9 : memref<!tpu.dma_semaphore, #tpu.memory_space<semaphore_mem>>)
    %dma_wait3A_111 = tpu.memref_slice %arg5[%mul3A_90] : memref<12288xi32, #tpu.memory_space<vmem>> -> memref<32xi32, #tpu.memory_space<vmem>>
    %dma_wait3A_112 = arith.constant 0 : i32
    %dma_wait3A_113 = arith.constant 0 : i32
    %dma_wait3A_114 = tpu.memref_slice %arg2[%dma_wait3A_112, %dma_wait3A_113] : memref<4096x1024xf32, #tpu.memory_space<hbm>> -> memref<4096x1024xf32, #tpu.memory_space<hbm>>
    tpu.wait_indirect_dma semaphore(%arg8 : memref<!tpu.dma_semaphore, #tpu.memory_space<semaphore_mem>>) src(%dma_wait3A_114 : memref<4096x1024xf32, #tpu.memory_space<hbm>>) dst(%arg6 : memref<32x1024xf32, #tpu.memory_space<vmem>>)
    %add3A_115 = arith.constant 192 : i32
    %add3A_116 = arith.addi %add3A, %add3A_115 : i32
    %mul3A_117 = arith.constant 32 : i32
    %mul3A_118 = arith.muli %add3A_116, %mul3A_117 : i32
    "tpu.region"() ({
      %run_scoped3A = tpu.sem_alloc : memref<!tpu.dma_semaphore, #tpu.memory_space<semaphore_mem>>
      %dma_start3A_191 = arith.constant 0 : i32
      %dma_start3A_192 = tpu.memref_slice %arg4[%mul3A_118, %dma_start3A_191] : memref<12288x1024xf32, #tpu.memory_space<hbm>> -> memref<32x1024xf32, #tpu.memory_space<hbm>>
      %dma_start3A_193 = arith.constant 0 : i32
      %dma_start3A_194 = tpu.memref_slice %arg4[%mul3A_118, %dma_start3A_193] : memref<12288x1024xf32, #tpu.memory_space<hbm>> -> memref<32x1024xf32, #tpu.memory_space<hbm>>
      tpu.enqueue_dma source(%arg6 : memref<32x1024xf32, #tpu.memory_space<vmem>>) target(%dma_start3A_194 : memref<32x1024xf32, #tpu.memory_space<hbm>>) target_semaphore(%run_scoped3A : memref<!tpu.dma_semaphore, #tpu.memory_space<semaphore_mem>>)
      %dma_wait3A_195 = arith.constant 0 : i32
      %dma_wait3A_196 = tpu.memref_slice %arg4[%mul3A_118, %dma_wait3A_195] : memref<12288x1024xf32, #tpu.memory_space<hbm>> -> memref<32x1024xf32, #tpu.memory_space<hbm>>
      %dma_wait3A_197 = arith.constant 0 : i32
      %dma_wait3A_198 = tpu.memref_slice %arg4[%mul3A_118, %dma_wait3A_197] : memref<12288x1024xf32, #tpu.memory_space<hbm>> -> memref<32x1024xf32, #tpu.memory_space<hbm>>
      tpu.wait_dma2 semaphore(%run_scoped3A : memref<!tpu.dma_semaphore, #tpu.memory_space<semaphore_mem>>) src(%arg6 : memref<32x1024xf32, #tpu.memory_space<vmem>>) dst(%dma_wait3A_198 : memref<32x1024xf32, #tpu.memory_space<hbm>>)
      tpu.yield
    }) : () -> ()
    %add3A_119 = arith.constant 256 : i32
    %add3A_120 = arith.addi %add3A, %add3A_119 : i32
    %mul3A_121 = arith.constant 32 : i32
    %mul3A_122 = arith.muli %add3A_120, %mul3A_121 : i32
    %dma_start3A_123 = tpu.memref_slice %arg5[%mul3A_122] : memref<12288xi32, #tpu.memory_space<vmem>> -> memref<32xi32, #tpu.memory_space<vmem>>
    %dma_start3A_124 = arith.constant 0 : i32
    %dma_start3A_125 = arith.constant 0 : i32
    %dma_start3A_126 = tpu.memref_slice %arg2[%dma_start3A_124, %dma_start3A_125] : memref<4096x1024xf32, #tpu.memory_space<hbm>> -> memref<4096x1024xf32, #tpu.memory_space<hbm>>
    tpu.enqueue_indirect_dma source(%dma_start3A_126 : memref<4096x1024xf32, #tpu.memory_space<hbm>>) target(%arg6 : memref<32x1024xf32, #tpu.memory_space<vmem>>) offsets(%dma_start3A_123 : memref<32xi32, #tpu.memory_space<vmem>>) semaphore(%arg8 : memref<!tpu.dma_semaphore, #tpu.memory_space<semaphore_mem>>)
    %dma_wait3A_127 = tpu.memref_slice %arg5[%mul3A_106] : memref<12288xi32, #tpu.memory_space<vmem>> -> memref<32xi32, #tpu.memory_space<vmem>>
    %dma_wait3A_128 = arith.constant 0 : i32
    %dma_wait3A_129 = arith.constant 0 : i32
    %dma_wait3A_130 = tpu.memref_slice %arg2[%dma_wait3A_128, %dma_wait3A_129] : memref<4096x1024xf32, #tpu.memory_space<hbm>> -> memref<4096x1024xf32, #tpu.memory_space<hbm>>
    tpu.wait_indirect_dma semaphore(%arg9 : memref<!tpu.dma_semaphore, #tpu.memory_space<semaphore_mem>>) src(%dma_wait3A_130 : memref<4096x1024xf32, #tpu.memory_space<hbm>>) dst(%arg7 : memref<32x1024xf32, #tpu.memory_space<vmem>>)
    %add3A_131 = arith.constant 224 : i32
    %add3A_132 = arith.addi %add3A, %add3A_131 : i32
    %mul3A_133 = arith.constant 32 : i32
    %mul3A_134 = arith.muli %add3A_132, %mul3A_133 : i32
    "tpu.region"() ({
      %run_scoped3A = tpu.sem_alloc : memref<!tpu.dma_semaphore, #tpu.memory_space<semaphore_mem>>
      %dma_start3A_191 = arith.constant 0 : i32
      %dma_start3A_192 = tpu.memref_slice %arg4[%mul3A_134, %dma_start3A_191] : memref<12288x1024xf32, #tpu.memory_space<hbm>> -> memref<32x1024xf32, #tpu.memory_space<hbm>>
      %dma_start3A_193 = arith.constant 0 : i32
      %dma_start3A_194 = tpu.memref_slice %arg4[%mul3A_134, %dma_start3A_193] : memref<12288x1024xf32, #tpu.memory_space<hbm>> -> memref<32x1024xf32, #tpu.memory_space<hbm>>
      tpu.enqueue_dma source(%arg7 : memref<32x1024xf32, #tpu.memory_space<vmem>>) target(%dma_start3A_194 : memref<32x1024xf32, #tpu.memory_space<hbm>>) target_semaphore(%run_scoped3A : memref<!tpu.dma_semaphore, #tpu.memory_space<semaphore_mem>>)
      %dma_wait3A_195 = arith.constant 0 : i32
      %dma_wait3A_196 = tpu.memref_slice %arg4[%mul3A_134, %dma_wait3A_195] : memref<12288x1024xf32, #tpu.memory_space<hbm>> -> memref<32x1024xf32, #tpu.memory_space<hbm>>
      %dma_wait3A_197 = arith.constant 0 : i32
      %dma_wait3A_198 = tpu.memref_slice %arg4[%mul3A_134, %dma_wait3A_197] : memref<12288x1024xf32, #tpu.memory_space<hbm>> -> memref<32x1024xf32, #tpu.memory_space<hbm>>
      tpu.wait_dma2 semaphore(%run_scoped3A : memref<!tpu.dma_semaphore, #tpu.memory_space<semaphore_mem>>) src(%arg7 : memref<32x1024xf32, #tpu.memory_space<vmem>>) dst(%dma_wait3A_198 : memref<32x1024xf32, #tpu.memory_space<hbm>>)
      tpu.yield
    }) : () -> ()
    %add3A_135 = arith.constant 288 : i32
    %add3A_136 = arith.addi %add3A, %add3A_135 : i32
    %mul3A_137 = arith.constant 32 : i32
    %mul3A_138 = arith.muli %add3A_136, %mul3A_137 : i32
    %dma_start3A_139 = tpu.memref_slice %arg5[%mul3A_138] : memref<12288xi32, #tpu.memory_space<vmem>> -> memref<32xi32, #tpu.memory_space<vmem>>
    %dma_start3A_140 = arith.constant 0 : i32
    %dma_start3A_141 = arith.constant 0 : i32
    %dma_start3A_142 = tpu.memref_slice %arg2[%dma_start3A_140, %dma_start3A_141] : memref<4096x1024xf32, #tpu.memory_space<hbm>> -> memref<4096x1024xf32, #tpu.memory_space<hbm>>
    tpu.enqueue_indirect_dma source(%dma_start3A_142 : memref<4096x1024xf32, #tpu.memory_space<hbm>>) target(%arg7 : memref<32x1024xf32, #tpu.memory_space<vmem>>) offsets(%dma_start3A_139 : memref<32xi32, #tpu.memory_space<vmem>>) semaphore(%arg9 : memref<!tpu.dma_semaphore, #tpu.memory_space<semaphore_mem>>)
    %dma_wait3A_143 = tpu.memref_slice %arg5[%mul3A_122] : memref<12288xi32, #tpu.memory_space<vmem>> -> memref<32xi32, #tpu.memory_space<vmem>>
    %dma_wait3A_144 = arith.constant 0 : i32
    %dma_wait3A_145 = arith.constant 0 : i32
    %dma_wait3A_146 = tpu.memref_slice %arg2[%dma_wait3A_144, %dma_wait3A_145] : memref<4096x1024xf32, #tpu.memory_space<hbm>> -> memref<4096x1024xf32, #tpu.memory_space<hbm>>
    tpu.wait_indirect_dma semaphore(%arg8 : memref<!tpu.dma_semaphore, #tpu.memory_space<semaphore_mem>>) src(%dma_wait3A_146 : memref<4096x1024xf32, #tpu.memory_space<hbm>>) dst(%arg6 : memref<32x1024xf32, #tpu.memory_space<vmem>>)
    %add3A_147 = arith.constant 256 : i32
    %add3A_148 = arith.addi %add3A, %add3A_147 : i32
    %mul3A_149 = arith.constant 32 : i32
    %mul3A_150 = arith.muli %add3A_148, %mul3A_149 : i32
    "tpu.region"() ({
      %run_scoped3A = tpu.sem_alloc : memref<!tpu.dma_semaphore, #tpu.memory_space<semaphore_mem>>
      %dma_start3A_191 = arith.constant 0 : i32
      %dma_start3A_192 = tpu.memref_slice %arg4[%mul3A_150, %dma_start3A_191] : memref<12288x1024xf32, #tpu.memory_space<hbm>> -> memref<32x1024xf32, #tpu.memory_space<hbm>>
      %dma_start3A_193 = arith.constant 0 : i32
      %dma_start3A_194 = tpu.memref_slice %arg4[%mul3A_150, %dma_start3A_193] : memref<12288x1024xf32, #tpu.memory_space<hbm>> -> memref<32x1024xf32, #tpu.memory_space<hbm>>
      tpu.enqueue_dma source(%arg6 : memref<32x1024xf32, #tpu.memory_space<vmem>>) target(%dma_start3A_194 : memref<32x1024xf32, #tpu.memory_space<hbm>>) target_semaphore(%run_scoped3A : memref<!tpu.dma_semaphore, #tpu.memory_space<semaphore_mem>>)
      %dma_wait3A_195 = arith.constant 0 : i32
      %dma_wait3A_196 = tpu.memref_slice %arg4[%mul3A_150, %dma_wait3A_195] : memref<12288x1024xf32, #tpu.memory_space<hbm>> -> memref<32x1024xf32, #tpu.memory_space<hbm>>
      %dma_wait3A_197 = arith.constant 0 : i32
      %dma_wait3A_198 = tpu.memref_slice %arg4[%mul3A_150, %dma_wait3A_197] : memref<12288x1024xf32, #tpu.memory_space<hbm>> -> memref<32x1024xf32, #tpu.memory_space<hbm>>
      tpu.wait_dma2 semaphore(%run_scoped3A : memref<!tpu.dma_semaphore, #tpu.memory_space<semaphore_mem>>) src(%arg6 : memref<32x1024xf32, #tpu.memory_space<vmem>>) dst(%dma_wait3A_198 : memref<32x1024xf32, #tpu.memory_space<hbm>>)
      tpu.yield
    }) : () -> ()
    %add3A_151 = arith.constant 320 : i32
    %add3A_152 = arith.addi %add3A, %add3A_151 : i32
    %mul3A_153 = arith.constant 32 : i32
    %mul3A_154 = arith.muli %add3A_152, %mul3A_153 : i32
    %dma_start3A_155 = tpu.memref_slice %arg5[%mul3A_154] : memref<12288xi32, #tpu.memory_space<vmem>> -> memref<32xi32, #tpu.memory_space<vmem>>
    %dma_start3A_156 = arith.constant 0 : i32
    %dma_start3A_157 = arith.constant 0 : i32
    %dma_start3A_158 = tpu.memref_slice %arg2[%dma_start3A_156, %dma_start3A_157] : memref<4096x1024xf32, #tpu.memory_space<hbm>> -> memref<4096x1024xf32, #tpu.memory_space<hbm>>
    tpu.enqueue_indirect_dma source(%dma_start3A_158 : memref<4096x1024xf32, #tpu.memory_space<hbm>>) target(%arg6 : memref<32x1024xf32, #tpu.memory_space<vmem>>) offsets(%dma_start3A_155 : memref<32xi32, #tpu.memory_space<vmem>>) semaphore(%arg8 : memref<!tpu.dma_semaphore, #tpu.memory_space<semaphore_mem>>)
    %dma_wait3A_159 = tpu.memref_slice %arg5[%mul3A_138] : memref<12288xi32, #tpu.memory_space<vmem>> -> memref<32xi32, #tpu.memory_space<vmem>>
    %dma_wait3A_160 = arith.constant 0 : i32
    %dma_wait3A_161 = arith.constant 0 : i32
    %dma_wait3A_162 = tpu.memref_slice %arg2[%dma_wait3A_160, %dma_wait3A_161] : memref<4096x1024xf32, #tpu.memory_space<hbm>> -> memref<4096x1024xf32, #tpu.memory_space<hbm>>
    tpu.wait_indirect_dma semaphore(%arg9 : memref<!tpu.dma_semaphore, #tpu.memory_space<semaphore_mem>>) src(%dma_wait3A_162 : memref<4096x1024xf32, #tpu.memory_space<hbm>>) dst(%arg7 : memref<32x1024xf32, #tpu.memory_space<vmem>>)
    %add3A_163 = arith.constant 288 : i32
    %add3A_164 = arith.addi %add3A, %add3A_163 : i32
    %mul3A_165 = arith.constant 32 : i32
    %mul3A_166 = arith.muli %add3A_164, %mul3A_165 : i32
    "tpu.region"() ({
      %run_scoped3A = tpu.sem_alloc : memref<!tpu.dma_semaphore, #tpu.memory_space<semaphore_mem>>
      %dma_start3A_191 = arith.constant 0 : i32
      %dma_start3A_192 = tpu.memref_slice %arg4[%mul3A_166, %dma_start3A_191] : memref<12288x1024xf32, #tpu.memory_space<hbm>> -> memref<32x1024xf32, #tpu.memory_space<hbm>>
      %dma_start3A_193 = arith.constant 0 : i32
      %dma_start3A_194 = tpu.memref_slice %arg4[%mul3A_166, %dma_start3A_193] : memref<12288x1024xf32, #tpu.memory_space<hbm>> -> memref<32x1024xf32, #tpu.memory_space<hbm>>
      tpu.enqueue_dma source(%arg7 : memref<32x1024xf32, #tpu.memory_space<vmem>>) target(%dma_start3A_194 : memref<32x1024xf32, #tpu.memory_space<hbm>>) target_semaphore(%run_scoped3A : memref<!tpu.dma_semaphore, #tpu.memory_space<semaphore_mem>>)
      %dma_wait3A_195 = arith.constant 0 : i32
      %dma_wait3A_196 = tpu.memref_slice %arg4[%mul3A_166, %dma_wait3A_195] : memref<12288x1024xf32, #tpu.memory_space<hbm>> -> memref<32x1024xf32, #tpu.memory_space<hbm>>
      %dma_wait3A_197 = arith.constant 0 : i32
      %dma_wait3A_198 = tpu.memref_slice %arg4[%mul3A_166, %dma_wait3A_197] : memref<12288x1024xf32, #tpu.memory_space<hbm>> -> memref<32x1024xf32, #tpu.memory_space<hbm>>
      tpu.wait_dma2 semaphore(%run_scoped3A : memref<!tpu.dma_semaphore, #tpu.memory_space<semaphore_mem>>) src(%arg7 : memref<32x1024xf32, #tpu.memory_space<vmem>>) dst(%dma_wait3A_198 : memref<32x1024xf32, #tpu.memory_space<hbm>>)
      tpu.yield
    }) : () -> ()
    %add3A_167 = arith.constant 352 : i32
    %add3A_168 = arith.addi %add3A, %add3A_167 : i32
    %mul3A_169 = arith.constant 32 : i32
    %mul3A_170 = arith.muli %add3A_168, %mul3A_169 : i32
    %dma_start3A_171 = tpu.memref_slice %arg5[%mul3A_170] : memref<12288xi32, #tpu.memory_space<vmem>> -> memref<32xi32, #tpu.memory_space<vmem>>
    %dma_start3A_172 = arith.constant 0 : i32
    %dma_start3A_173 = arith.constant 0 : i32
    %dma_start3A_174 = tpu.memref_slice %arg2[%dma_start3A_172, %dma_start3A_173] : memref<4096x1024xf32, #tpu.memory_space<hbm>> -> memref<4096x1024xf32, #tpu.memory_space<hbm>>
    tpu.enqueue_indirect_dma source(%dma_start3A_174 : memref<4096x1024xf32, #tpu.memory_space<hbm>>) target(%arg7 : memref<32x1024xf32, #tpu.memory_space<vmem>>) offsets(%dma_start3A_171 : memref<32xi32, #tpu.memory_space<vmem>>) semaphore(%arg9 : memref<!tpu.dma_semaphore, #tpu.memory_space<semaphore_mem>>)
    %dma_wait3A_175 = tpu.memref_slice %arg5[%mul3A_154] : memref<12288xi32, #tpu.memory_space<vmem>> -> memref<32xi32, #tpu.memory_space<vmem>>
    %dma_wait3A_176 = arith.constant 0 : i32
    %dma_wait3A_177 = arith.constant 0 : i32
    %dma_wait3A_178 = tpu.memref_slice %arg2[%dma_wait3A_176, %dma_wait3A_177] : memref<4096x1024xf32, #tpu.memory_space<hbm>> -> memref<4096x1024xf32, #tpu.memory_space<hbm>>
    tpu.wait_indirect_dma semaphore(%arg8 : memref<!tpu.dma_semaphore, #tpu.memory_space<semaphore_mem>>) src(%dma_wait3A_178 : memref<4096x1024xf32, #tpu.memory_space<hbm>>) dst(%arg6 : memref<32x1024xf32, #tpu.memory_space<vmem>>)
    %add3A_179 = arith.constant 320 : i32
    %add3A_180 = arith.addi %add3A, %add3A_179 : i32
    %mul3A_181 = arith.constant 32 : i32
    %mul3A_182 = arith.muli %add3A_180, %mul3A_181 : i32
    "tpu.region"() ({
      %run_scoped3A = tpu.sem_alloc : memref<!tpu.dma_semaphore, #tpu.memory_space<semaphore_mem>>
      %dma_start3A_191 = arith.constant 0 : i32
      %dma_start3A_192 = tpu.memref_slice %arg4[%mul3A_182, %dma_start3A_191] : memref<12288x1024xf32, #tpu.memory_space<hbm>> -> memref<32x1024xf32, #tpu.memory_space<hbm>>
      %dma_start3A_193 = arith.constant 0 : i32
      %dma_start3A_194 = tpu.memref_slice %arg4[%mul3A_182, %dma_start3A_193] : memref<12288x1024xf32, #tpu.memory_space<hbm>> -> memref<32x1024xf32, #tpu.memory_space<hbm>>
      tpu.enqueue_dma source(%arg6 : memref<32x1024xf32, #tpu.memory_space<vmem>>) target(%dma_start3A_194 : memref<32x1024xf32, #tpu.memory_space<hbm>>) target_semaphore(%run_scoped3A : memref<!tpu.dma_semaphore, #tpu.memory_space<semaphore_mem>>)
      %dma_wait3A_195 = arith.constant 0 : i32
      %dma_wait3A_196 = tpu.memref_slice %arg4[%mul3A_182, %dma_wait3A_195] : memref<12288x1024xf32, #tpu.memory_space<hbm>> -> memref<32x1024xf32, #tpu.memory_space<hbm>>
      %dma_wait3A_197 = arith.constant 0 : i32
      %dma_wait3A_198 = tpu.memref_slice %arg4[%mul3A_182, %dma_wait3A_197] : memref<12288x1024xf32, #tpu.memory_space<hbm>> -> memref<32x1024xf32, #tpu.memory_space<hbm>>
      tpu.wait_dma2 semaphore(%run_scoped3A : memref<!tpu.dma_semaphore, #tpu.memory_space<semaphore_mem>>) src(%arg6 : memref<32x1024xf32, #tpu.memory_space<vmem>>) dst(%dma_wait3A_198 : memref<32x1024xf32, #tpu.memory_space<hbm>>)
      tpu.yield
    }) : () -> ()
    %dma_wait3A_183 = tpu.memref_slice %arg5[%mul3A_170] : memref<12288xi32, #tpu.memory_space<vmem>> -> memref<32xi32, #tpu.memory_space<vmem>>
    %dma_wait3A_184 = arith.constant 0 : i32
    %dma_wait3A_185 = arith.constant 0 : i32
    %dma_wait3A_186 = tpu.memref_slice %arg2[%dma_wait3A_184, %dma_wait3A_185] : memref<4096x1024xf32, #tpu.memory_space<hbm>> -> memref<4096x1024xf32, #tpu.memory_space<hbm>>
    tpu.wait_indirect_dma semaphore(%arg9 : memref<!tpu.dma_semaphore, #tpu.memory_space<semaphore_mem>>) src(%dma_wait3A_186 : memref<4096x1024xf32, #tpu.memory_space<hbm>>) dst(%arg7 : memref<32x1024xf32, #tpu.memory_space<vmem>>)
    %add3A_187 = arith.constant 352 : i32
    %add3A_188 = arith.addi %add3A, %add3A_187 : i32
    %mul3A_189 = arith.constant 32 : i32
    %mul3A_190 = arith.muli %add3A_188, %mul3A_189 : i32
    "tpu.region"() ({
      %run_scoped3A = tpu.sem_alloc : memref<!tpu.dma_semaphore, #tpu.memory_space<semaphore_mem>>
      %dma_start3A_191 = arith.constant 0 : i32
      %dma_start3A_192 = tpu.memref_slice %arg4[%mul3A_190, %dma_start3A_191] : memref<12288x1024xf32, #tpu.memory_space<hbm>> -> memref<32x1024xf32, #tpu.memory_space<hbm>>
      %dma_start3A_193 = arith.constant 0 : i32
      %dma_start3A_194 = tpu.memref_slice %arg4[%mul3A_190, %dma_start3A_193] : memref<12288x1024xf32, #tpu.memory_space<hbm>> -> memref<32x1024xf32, #tpu.memory_space<hbm>>
      tpu.enqueue_dma source(%arg7 : memref<32x1024xf32, #tpu.memory_space<vmem>>) target(%dma_start3A_194 : memref<32x1024xf32, #tpu.memory_space<hbm>>) target_semaphore(%run_scoped3A : memref<!tpu.dma_semaphore, #tpu.memory_space<semaphore_mem>>)
      %dma_wait3A_195 = arith.constant 0 : i32
      %dma_wait3A_196 = tpu.memref_slice %arg4[%mul3A_190, %dma_wait3A_195] : memref<12288x1024xf32, #tpu.memory_space<hbm>> -> memref<32x1024xf32, #tpu.memory_space<hbm>>
      %dma_wait3A_197 = arith.constant 0 : i32
      %dma_wait3A_198 = tpu.memref_slice %arg4[%mul3A_190, %dma_wait3A_197] : memref<12288x1024xf32, #tpu.memory_space<hbm>> -> memref<32x1024xf32, #tpu.memory_space<hbm>>
      tpu.wait_dma2 semaphore(%run_scoped3A : memref<!tpu.dma_semaphore, #tpu.memory_space<semaphore_mem>>) src(%arg7 : memref<32x1024xf32, #tpu.memory_space<vmem>>) dst(%dma_wait3A_198 : memref<32x1024xf32, #tpu.memory_space<hbm>>)
      tpu.yield
    }) : () -> ()
    return
  }
}

#map = affine_map<(d0, d1) -> (0, 0)>
#map1 = affine_map<(d0, d1) -> (0)>
module attributes {stable_mosaic.version = 14 : i64} {
  func.func @k(%arg0: i32, %arg1: i32, %arg2: memref<12288x1024xf32, #tpu.memory_space<hbm>>, %arg3: memref<4096xi32, #tpu.memory_space<hbm>>, %arg4: memref<4096x1024xf32, #tpu.memory_space<hbm>>, %arg5: memref<4096xi32, #tpu.memory_space<vmem>>, %arg6: memref<32x1024xf32, #tpu.memory_space<vmem>>, %arg7: memref<32x1024xf32, #tpu.memory_space<vmem>>, %arg8: memref<!tpu.dma_semaphore, #tpu.memory_space<semaphore_mem>>, %arg9: memref<!tpu.dma_semaphore, #tpu.memory_space<semaphore_mem>>) attributes {dimension_semantics = [#tpu.dimension_semantics<core_parallel>, #tpu.dimension_semantics<subcore_parallel>], iteration_bounds = array<i64: 2, 16>, scalar_prefetch = 0 : i64, scratch_operands = 5 : i64, tpu.core_type = #tpu.core_type<sc_vector_subcore>, window_params = [{transform_indices = #map}, {transform_indices = #map1}, {transform_indices = #map}]} {
    %mul3A = arith.constant 2 : i32
    %mul3A_0 = arith.muli %arg1, %mul3A : i32
    %add3A = arith.addi %mul3A_0, %arg0 : i32
    "tpu.region"() ({
      %run_scoped3A = tpu.sem_alloc : memref<!tpu.dma_semaphore, #tpu.memory_space<semaphore_mem>>
      tpu.enqueue_dma source(%arg3 : memref<4096xi32, #tpu.memory_space<hbm>>) target(%arg5 : memref<4096xi32, #tpu.memory_space<vmem>>) target_semaphore(%run_scoped3A : memref<!tpu.dma_semaphore, #tpu.memory_space<semaphore_mem>>)
      tpu.wait_dma2 semaphore(%run_scoped3A : memref<!tpu.dma_semaphore, #tpu.memory_space<semaphore_mem>>) src(%arg3 : memref<4096xi32, #tpu.memory_space<hbm>>) dst(%arg5 : memref<4096xi32, #tpu.memory_space<vmem>>)
      tpu.yield
    }) : () -> ()
    %add3A_1 = arith.constant 0 : i32
    %add3A_2 = arith.addi %add3A, %add3A_1 : i32
    %mul3A_3 = arith.constant 32 : i32
    %mul3A_4 = arith.muli %add3A_2, %mul3A_3 : i32
    %dma_start3A = tpu.memref_slice %arg5[%mul3A_4] : memref<4096xi32, #tpu.memory_space<vmem>> -> memref<32xi32, #tpu.memory_space<vmem>>
    %dma_start3A_5 = arith.constant 0 : i32
    %dma_start3A_6 = arith.constant 0 : i32
    %dma_start3A_7 = tpu.memref_slice %arg2[%dma_start3A_5, %dma_start3A_6] : memref<12288x1024xf32, #tpu.memory_space<hbm>> -> memref<12288x1024xf32, #tpu.memory_space<hbm>>
    tpu.enqueue_indirect_dma source(%dma_start3A_7 : memref<12288x1024xf32, #tpu.memory_space<hbm>>) target(%arg6 : memref<32x1024xf32, #tpu.memory_space<vmem>>) offsets(%dma_start3A : memref<32xi32, #tpu.memory_space<vmem>>) semaphore(%arg8 : memref<!tpu.dma_semaphore, #tpu.memory_space<semaphore_mem>>)
    %add3A_8 = arith.constant 32 : i32
    %add3A_9 = arith.addi %add3A, %add3A_8 : i32
    %mul3A_10 = arith.constant 32 : i32
    %mul3A_11 = arith.muli %add3A_9, %mul3A_10 : i32
    %dma_start3A_12 = tpu.memref_slice %arg5[%mul3A_11] : memref<4096xi32, #tpu.memory_space<vmem>> -> memref<32xi32, #tpu.memory_space<vmem>>
    %dma_start3A_13 = arith.constant 0 : i32
    %dma_start3A_14 = arith.constant 0 : i32
    %dma_start3A_15 = tpu.memref_slice %arg2[%dma_start3A_13, %dma_start3A_14] : memref<12288x1024xf32, #tpu.memory_space<hbm>> -> memref<12288x1024xf32, #tpu.memory_space<hbm>>
    tpu.enqueue_indirect_dma source(%dma_start3A_15 : memref<12288x1024xf32, #tpu.memory_space<hbm>>) target(%arg7 : memref<32x1024xf32, #tpu.memory_space<vmem>>) offsets(%dma_start3A_12 : memref<32xi32, #tpu.memory_space<vmem>>) semaphore(%arg9 : memref<!tpu.dma_semaphore, #tpu.memory_space<semaphore_mem>>)
    %dma_wait3A = tpu.memref_slice %arg5[%mul3A_4] : memref<4096xi32, #tpu.memory_space<vmem>> -> memref<32xi32, #tpu.memory_space<vmem>>
    %dma_wait3A_16 = arith.constant 0 : i32
    %dma_wait3A_17 = arith.constant 0 : i32
    %dma_wait3A_18 = tpu.memref_slice %arg2[%dma_wait3A_16, %dma_wait3A_17] : memref<12288x1024xf32, #tpu.memory_space<hbm>> -> memref<12288x1024xf32, #tpu.memory_space<hbm>>
    tpu.wait_indirect_dma semaphore(%arg8 : memref<!tpu.dma_semaphore, #tpu.memory_space<semaphore_mem>>) src(%dma_wait3A_18 : memref<12288x1024xf32, #tpu.memory_space<hbm>>) dst(%arg6 : memref<32x1024xf32, #tpu.memory_space<vmem>>)
    %add3A_19 = arith.constant 0 : i32
    %add3A_20 = arith.addi %add3A, %add3A_19 : i32
    %mul3A_21 = arith.constant 32 : i32
    %mul3A_22 = arith.muli %add3A_20, %mul3A_21 : i32
    "tpu.region"() ({
      %run_scoped3A = tpu.sem_alloc : memref<!tpu.dma_semaphore, #tpu.memory_space<semaphore_mem>>
      %dma_start3A_63 = arith.constant 0 : i32
      %dma_start3A_64 = tpu.memref_slice %arg4[%mul3A_22, %dma_start3A_63] : memref<4096x1024xf32, #tpu.memory_space<hbm>> -> memref<32x1024xf32, #tpu.memory_space<hbm>>
      %dma_start3A_65 = arith.constant 0 : i32
      %dma_start3A_66 = tpu.memref_slice %arg4[%mul3A_22, %dma_start3A_65] : memref<4096x1024xf32, #tpu.memory_space<hbm>> -> memref<32x1024xf32, #tpu.memory_space<hbm>>
      tpu.enqueue_dma source(%arg6 : memref<32x1024xf32, #tpu.memory_space<vmem>>) target(%dma_start3A_66 : memref<32x1024xf32, #tpu.memory_space<hbm>>) target_semaphore(%run_scoped3A : memref<!tpu.dma_semaphore, #tpu.memory_space<semaphore_mem>>)
      %dma_wait3A_67 = arith.constant 0 : i32
      %dma_wait3A_68 = tpu.memref_slice %arg4[%mul3A_22, %dma_wait3A_67] : memref<4096x1024xf32, #tpu.memory_space<hbm>> -> memref<32x1024xf32, #tpu.memory_space<hbm>>
      %dma_wait3A_69 = arith.constant 0 : i32
      %dma_wait3A_70 = tpu.memref_slice %arg4[%mul3A_22, %dma_wait3A_69] : memref<4096x1024xf32, #tpu.memory_space<hbm>> -> memref<32x1024xf32, #tpu.memory_space<hbm>>
      tpu.wait_dma2 semaphore(%run_scoped3A : memref<!tpu.dma_semaphore, #tpu.memory_space<semaphore_mem>>) src(%arg6 : memref<32x1024xf32, #tpu.memory_space<vmem>>) dst(%dma_wait3A_70 : memref<32x1024xf32, #tpu.memory_space<hbm>>)
      tpu.yield
    }) : () -> ()
    %add3A_23 = arith.constant 64 : i32
    %add3A_24 = arith.addi %add3A, %add3A_23 : i32
    %mul3A_25 = arith.constant 32 : i32
    %mul3A_26 = arith.muli %add3A_24, %mul3A_25 : i32
    %dma_start3A_27 = tpu.memref_slice %arg5[%mul3A_26] : memref<4096xi32, #tpu.memory_space<vmem>> -> memref<32xi32, #tpu.memory_space<vmem>>
    %dma_start3A_28 = arith.constant 0 : i32
    %dma_start3A_29 = arith.constant 0 : i32
    %dma_start3A_30 = tpu.memref_slice %arg2[%dma_start3A_28, %dma_start3A_29] : memref<12288x1024xf32, #tpu.memory_space<hbm>> -> memref<12288x1024xf32, #tpu.memory_space<hbm>>
    tpu.enqueue_indirect_dma source(%dma_start3A_30 : memref<12288x1024xf32, #tpu.memory_space<hbm>>) target(%arg6 : memref<32x1024xf32, #tpu.memory_space<vmem>>) offsets(%dma_start3A_27 : memref<32xi32, #tpu.memory_space<vmem>>) semaphore(%arg8 : memref<!tpu.dma_semaphore, #tpu.memory_space<semaphore_mem>>)
    %dma_wait3A_31 = tpu.memref_slice %arg5[%mul3A_11] : memref<4096xi32, #tpu.memory_space<vmem>> -> memref<32xi32, #tpu.memory_space<vmem>>
    %dma_wait3A_32 = arith.constant 0 : i32
    %dma_wait3A_33 = arith.constant 0 : i32
    %dma_wait3A_34 = tpu.memref_slice %arg2[%dma_wait3A_32, %dma_wait3A_33] : memref<12288x1024xf32, #tpu.memory_space<hbm>> -> memref<12288x1024xf32, #tpu.memory_space<hbm>>
    tpu.wait_indirect_dma semaphore(%arg9 : memref<!tpu.dma_semaphore, #tpu.memory_space<semaphore_mem>>) src(%dma_wait3A_34 : memref<12288x1024xf32, #tpu.memory_space<hbm>>) dst(%arg7 : memref<32x1024xf32, #tpu.memory_space<vmem>>)
    %add3A_35 = arith.constant 32 : i32
    %add3A_36 = arith.addi %add3A, %add3A_35 : i32
    %mul3A_37 = arith.constant 32 : i32
    %mul3A_38 = arith.muli %add3A_36, %mul3A_37 : i32
    "tpu.region"() ({
      %run_scoped3A = tpu.sem_alloc : memref<!tpu.dma_semaphore, #tpu.memory_space<semaphore_mem>>
      %dma_start3A_63 = arith.constant 0 : i32
      %dma_start3A_64 = tpu.memref_slice %arg4[%mul3A_38, %dma_start3A_63] : memref<4096x1024xf32, #tpu.memory_space<hbm>> -> memref<32x1024xf32, #tpu.memory_space<hbm>>
      %dma_start3A_65 = arith.constant 0 : i32
      %dma_start3A_66 = tpu.memref_slice %arg4[%mul3A_38, %dma_start3A_65] : memref<4096x1024xf32, #tpu.memory_space<hbm>> -> memref<32x1024xf32, #tpu.memory_space<hbm>>
      tpu.enqueue_dma source(%arg7 : memref<32x1024xf32, #tpu.memory_space<vmem>>) target(%dma_start3A_66 : memref<32x1024xf32, #tpu.memory_space<hbm>>) target_semaphore(%run_scoped3A : memref<!tpu.dma_semaphore, #tpu.memory_space<semaphore_mem>>)
      %dma_wait3A_67 = arith.constant 0 : i32
      %dma_wait3A_68 = tpu.memref_slice %arg4[%mul3A_38, %dma_wait3A_67] : memref<4096x1024xf32, #tpu.memory_space<hbm>> -> memref<32x1024xf32, #tpu.memory_space<hbm>>
      %dma_wait3A_69 = arith.constant 0 : i32
      %dma_wait3A_70 = tpu.memref_slice %arg4[%mul3A_38, %dma_wait3A_69] : memref<4096x1024xf32, #tpu.memory_space<hbm>> -> memref<32x1024xf32, #tpu.memory_space<hbm>>
      tpu.wait_dma2 semaphore(%run_scoped3A : memref<!tpu.dma_semaphore, #tpu.memory_space<semaphore_mem>>) src(%arg7 : memref<32x1024xf32, #tpu.memory_space<vmem>>) dst(%dma_wait3A_70 : memref<32x1024xf32, #tpu.memory_space<hbm>>)
      tpu.yield
    }) : () -> ()
    %add3A_39 = arith.constant 96 : i32
    %add3A_40 = arith.addi %add3A, %add3A_39 : i32
    %mul3A_41 = arith.constant 32 : i32
    %mul3A_42 = arith.muli %add3A_40, %mul3A_41 : i32
    %dma_start3A_43 = tpu.memref_slice %arg5[%mul3A_42] : memref<4096xi32, #tpu.memory_space<vmem>> -> memref<32xi32, #tpu.memory_space<vmem>>
    %dma_start3A_44 = arith.constant 0 : i32
    %dma_start3A_45 = arith.constant 0 : i32
    %dma_start3A_46 = tpu.memref_slice %arg2[%dma_start3A_44, %dma_start3A_45] : memref<12288x1024xf32, #tpu.memory_space<hbm>> -> memref<12288x1024xf32, #tpu.memory_space<hbm>>
    tpu.enqueue_indirect_dma source(%dma_start3A_46 : memref<12288x1024xf32, #tpu.memory_space<hbm>>) target(%arg7 : memref<32x1024xf32, #tpu.memory_space<vmem>>) offsets(%dma_start3A_43 : memref<32xi32, #tpu.memory_space<vmem>>) semaphore(%arg9 : memref<!tpu.dma_semaphore, #tpu.memory_space<semaphore_mem>>)
    %dma_wait3A_47 = tpu.memref_slice %arg5[%mul3A_26] : memref<4096xi32, #tpu.memory_space<vmem>> -> memref<32xi32, #tpu.memory_space<vmem>>
    %dma_wait3A_48 = arith.constant 0 : i32
    %dma_wait3A_49 = arith.constant 0 : i32
    %dma_wait3A_50 = tpu.memref_slice %arg2[%dma_wait3A_48, %dma_wait3A_49] : memref<12288x1024xf32, #tpu.memory_space<hbm>> -> memref<12288x1024xf32, #tpu.memory_space<hbm>>
    tpu.wait_indirect_dma semaphore(%arg8 : memref<!tpu.dma_semaphore, #tpu.memory_space<semaphore_mem>>) src(%dma_wait3A_50 : memref<12288x1024xf32, #tpu.memory_space<hbm>>) dst(%arg6 : memref<32x1024xf32, #tpu.memory_space<vmem>>)
    %add3A_51 = arith.constant 64 : i32
    %add3A_52 = arith.addi %add3A, %add3A_51 : i32
    %mul3A_53 = arith.constant 32 : i32
    %mul3A_54 = arith.muli %add3A_52, %mul3A_53 : i32
    "tpu.region"() ({
      %run_scoped3A = tpu.sem_alloc : memref<!tpu.dma_semaphore, #tpu.memory_space<semaphore_mem>>
      %dma_start3A_63 = arith.constant 0 : i32
      %dma_start3A_64 = tpu.memref_slice %arg4[%mul3A_54, %dma_start3A_63] : memref<4096x1024xf32, #tpu.memory_space<hbm>> -> memref<32x1024xf32, #tpu.memory_space<hbm>>
      %dma_start3A_65 = arith.constant 0 : i32
      %dma_start3A_66 = tpu.memref_slice %arg4[%mul3A_54, %dma_start3A_65] : memref<4096x1024xf32, #tpu.memory_space<hbm>> -> memref<32x1024xf32, #tpu.memory_space<hbm>>
      tpu.enqueue_dma source(%arg6 : memref<32x1024xf32, #tpu.memory_space<vmem>>) target(%dma_start3A_66 : memref<32x1024xf32, #tpu.memory_space<hbm>>) target_semaphore(%run_scoped3A : memref<!tpu.dma_semaphore, #tpu.memory_space<semaphore_mem>>)
      %dma_wait3A_67 = arith.constant 0 : i32
      %dma_wait3A_68 = tpu.memref_slice %arg4[%mul3A_54, %dma_wait3A_67] : memref<4096x1024xf32, #tpu.memory_space<hbm>> -> memref<32x1024xf32, #tpu.memory_space<hbm>>
      %dma_wait3A_69 = arith.constant 0 : i32
      %dma_wait3A_70 = tpu.memref_slice %arg4[%mul3A_54, %dma_wait3A_69] : memref<4096x1024xf32, #tpu.memory_space<hbm>> -> memref<32x1024xf32, #tpu.memory_space<hbm>>
      tpu.wait_dma2 semaphore(%run_scoped3A : memref<!tpu.dma_semaphore, #tpu.memory_space<semaphore_mem>>) src(%arg6 : memref<32x1024xf32, #tpu.memory_space<vmem>>) dst(%dma_wait3A_70 : memref<32x1024xf32, #tpu.memory_space<hbm>>)
      tpu.yield
    }) : () -> ()
    %dma_wait3A_55 = tpu.memref_slice %arg5[%mul3A_42] : memref<4096xi32, #tpu.memory_space<vmem>> -> memref<32xi32, #tpu.memory_space<vmem>>
    %dma_wait3A_56 = arith.constant 0 : i32
    %dma_wait3A_57 = arith.constant 0 : i32
    %dma_wait3A_58 = tpu.memref_slice %arg2[%dma_wait3A_56, %dma_wait3A_57] : memref<12288x1024xf32, #tpu.memory_space<hbm>> -> memref<12288x1024xf32, #tpu.memory_space<hbm>>
    tpu.wait_indirect_dma semaphore(%arg9 : memref<!tpu.dma_semaphore, #tpu.memory_space<semaphore_mem>>) src(%dma_wait3A_58 : memref<12288x1024xf32, #tpu.memory_space<hbm>>) dst(%arg7 : memref<32x1024xf32, #tpu.memory_space<vmem>>)
    %add3A_59 = arith.constant 96 : i32
    %add3A_60 = arith.addi %add3A, %add3A_59 : i32
    %mul3A_61 = arith.constant 32 : i32
    %mul3A_62 = arith.muli %add3A_60, %mul3A_61 : i32
    "tpu.region"() ({
      %run_scoped3A = tpu.sem_alloc : memref<!tpu.dma_semaphore, #tpu.memory_space<semaphore_mem>>
      %dma_start3A_63 = arith.constant 0 : i32
      %dma_start3A_64 = tpu.memref_slice %arg4[%mul3A_62, %dma_start3A_63] : memref<4096x1024xf32, #tpu.memory_space<hbm>> -> memref<32x1024xf32, #tpu.memory_space<hbm>>
      %dma_start3A_65 = arith.constant 0 : i32
      %dma_start3A_66 = tpu.memref_slice %arg4[%mul3A_62, %dma_start3A_65] : memref<4096x1024xf32, #tpu.memory_space<hbm>> -> memref<32x1024xf32, #tpu.memory_space<hbm>>
      tpu.enqueue_dma source(%arg7 : memref<32x1024xf32, #tpu.memory_space<vmem>>) target(%dma_start3A_66 : memref<32x1024xf32, #tpu.memory_space<hbm>>) target_semaphore(%run_scoped3A : memref<!tpu.dma_semaphore, #tpu.memory_space<semaphore_mem>>)
      %dma_wait3A_67 = arith.constant 0 : i32
      %dma_wait3A_68 = tpu.memref_slice %arg4[%mul3A_62, %dma_wait3A_67] : memref<4096x1024xf32, #tpu.memory_space<hbm>> -> memref<32x1024xf32, #tpu.memory_space<hbm>>
      %dma_wait3A_69 = arith.constant 0 : i32
      %dma_wait3A_70 = tpu.memref_slice %arg4[%mul3A_62, %dma_wait3A_69] : memref<4096x1024xf32, #tpu.memory_space<hbm>> -> memref<32x1024xf32, #tpu.memory_space<hbm>>
      tpu.wait_dma2 semaphore(%run_scoped3A : memref<!tpu.dma_semaphore, #tpu.memory_space<semaphore_mem>>) src(%arg7 : memref<32x1024xf32, #tpu.memory_space<vmem>>) dst(%dma_wait3A_70 : memref<32x1024xf32, #tpu.memory_space<hbm>>)
      tpu.yield
    }) : () -> ()
    return
  }
}

module attributes {stable_mosaic.version = 14 : i64} {
  func.func @_router_body(%arg0: i32, %arg1: memref<128x1024xf32, #tpu.memory_space<vmem>>, %arg2: memref<1024x64xf32, #tpu.memory_space<vmem>>, %arg3: memref<8x64xf32, #tpu.memory_space<vmem>>, %arg4: memref<128x128xi32, #tpu.memory_space<vmem>>, %arg5: memref<128x128xi32, #tpu.memory_space<vmem>>, %arg6: memref<8x64xi32, #tpu.memory_space<vmem>>, %arg7: memref<8x64xf32, #tpu.memory_space<vmem>>) attributes {dimension_semantics = [#tpu.dimension_semantics<arbitrary>], iteration_bounds = array<i64: 32>, scalar_prefetch = 0 : i64, scratch_operands = 1 : i64, tpu.core_type = #tpu.core_type<tc>, window_params = [{transform_indices = @transform_0, window_bounds = array<i64: 128, 1024>}, {pipeline_mode = #tpu.pipeline_mode<synchronous>, transform_indices = @transform_1, window_bounds = array<i64: 1024, 64>}, {pipeline_mode = #tpu.pipeline_mode<synchronous>, transform_indices = @transform_2, window_bounds = array<i64: 8, 64>}, {transform_indices = @transform_3, window_bounds = array<i64: 128, 128>}, {transform_indices = @transform_4, window_bounds = array<i64: 128, 128>}, {pipeline_mode = #tpu.pipeline_mode<synchronous>, transform_indices = @transform_5, window_bounds = array<i64: 8, 64>}]} {
    %eq3A = arith.constant 0 : i32
    %eq3A_0 = arith.cmpi eq, %arg0, %eq3A : i32
    %convert_element_type3A = arith.extui %eq3A_0 : i1 to i32
    %cond3A = arith.constant 0 : i32
    %cond3A_1 = arith.cmpi ne, %convert_element_type3A, %cond3A : i32
    scf.if %cond3A_1 {
      %broadcast_in_dim3A_61 = arith.constant 0.000000e+00 : f32
      %broadcast_in_dim3A_62 = vector.broadcast %broadcast_in_dim3A_61 : f32 to vector<8x64xf32>
      %swap3A_63 = arith.constant 0 : index
      %swap3A_64 = arith.constant 0 : index
      %swap3A_65 = vector.load %arg7[%swap3A_63, %swap3A_64] : memref<8x64xf32, #tpu.memory_space<vmem>>, vector<8x64xf32>
      tpu.vector_store %arg7[%swap3A_63, %swap3A_64], %broadcast_in_dim3A_62 {strides = array<i32>} : memref<8x64xf32, #tpu.memory_space<vmem>>, vector<8x64xf32>,
    } else {
    }
    %get3A = arith.constant 0 : index
    %get3A_2 = arith.constant 0 : index
    %get3A_3 = vector.load %arg1[%get3A, %get3A_2] : memref<128x1024xf32, #tpu.memory_space<vmem>>, vector<128x1024xf32>
    %convert_element_type3A_4 = arith.truncf %get3A_3 : vector<128x1024xf32> to vector<128x1024xbf16>
    %get3A_5 = arith.constant 0 : index
    %get3A_6 = arith.constant 0 : index
    %get3A_7 = vector.load %arg2[%get3A_5, %get3A_6] : memref<1024x64xf32, #tpu.memory_space<vmem>>, vector<1024x64xf32>
    %convert_element_type3A_8 = arith.truncf %get3A_7 : vector<1024x64xf32> to vector<1024x64xbf16>
    %dot_general3A = arith.constant dense<0.000000e+00> : vector<128x64xf32>
    %dot_general3A_9 = tpu.matmul %convert_element_type3A_4, %convert_element_type3A_8, %dot_general3A {dimension_numbers = #tpu.dot_dimension_numbers<[1], [0], [0], [1], [0, 0, 1, 1], [], []>, transpose_lhs_hint = false} : vector<128x1024xbf16>, vector<1024x64xbf16>, vector<128x64xf32> -> vector<128x64xf32>
    %get3A_10 = arith.constant 0 : index
    %get3A_11 = arith.constant 0 : index
    %get3A_12 = vector.load %arg3[%get3A_10, %get3A_11] : memref<8x64xf32, #tpu.memory_space<vmem>>, vector<1x64xf32>
    %add3A = vector.broadcast %get3A_12 : vector<1x64xf32> to vector<128x64xf32>
    %add3A_13 = arith.addf %dot_general3A_9, %add3A : vector<128x64xf32>
    %reduce_max3A = arith.constant dense<0xFF800000> : vector<128xf32>
    %reduce_max3A_14 = vector.multi_reduction <maximumf>, %add3A_13, %reduce_max3A [1] : vector<128x64xf32> to vector<128xf32>
    %broadcast_in_dim3A = vector.shape_cast %reduce_max3A_14 : vector<128xf32> to vector<128x1xf32>
    %iota3A = tpu.iota {dimensions = array<i32: 1>} : vector<128x64xi32>
    %ge3A = vector.broadcast %broadcast_in_dim3A : vector<128x1xf32> to vector<128x64xf32>
    %ge3A_15 = arith.cmpf oge, %add3A_13, %ge3A : vector<128x64xf32>
    %jit3A = arith.constant 64 : i32
    %broadcast_in_dim3A_16 = vector.broadcast %jit3A : i32 to vector<128x64xi32>
    %select_n3A = arith.select %ge3A_15, %iota3A, %broadcast_in_dim3A_16 : vector<128x64xi1>, vector<128x64xi32>
    %reduce_min3A = arith.constant dense<2147483647> : vector<128xi32>
    %reduce_min3A_17 = vector.multi_reduction <minsi>, %select_n3A, %reduce_min3A [1] : vector<128x64xi32> to vector<128xi32>
    %broadcast_in_dim3A_18 = vector.shape_cast %reduce_min3A_17 : vector<128xi32> to vector<128x1xi32>
    %eq3A_19 = vector.broadcast %broadcast_in_dim3A_18 : vector<128x1xi32> to vector<128x64xi32>
    %eq3A_20 = arith.cmpi eq, %iota3A, %eq3A_19 : vector<128x64xi32>
    %convert_element_type3A_21 = arith.extui %eq3A_20 : vector<128x64xi1> to vector<128x64xi32>
    %convert_element_type3A_22 = arith.sitofp %convert_element_type3A_21 : vector<128x64xi32> to vector<128x64xf32>
    %iota3A_23 = tpu.iota {dimensions = array<i32: 0>} : vector<128x128xi32>
    %iota3A_24 = tpu.iota {dimensions = array<i32: 1>} : vector<128x128xi32>
    %ge3A_25 = arith.cmpi sge, %iota3A_23, %iota3A_24 : vector<128x128xi32>
    %convert_element_type3A_26 = arith.extui %ge3A_25 : vector<128x128xi1> to vector<128x128xi32>
    %convert_element_type3A_27 = arith.sitofp %convert_element_type3A_26 : vector<128x128xi32> to vector<128x128xf32>
    %dot_general3A_28 = arith.constant dense<0.000000e+00> : vector<128x64xf32>
    %dot_general3A_29 = tpu.matmul %convert_element_type3A_27, %convert_element_type3A_22, %dot_general3A_28 {dimension_numbers = #tpu.dot_dimension_numbers<[1], [0], [0], [1], [0, 0, 1, 1], [], []>, transpose_lhs_hint = false} : vector<128x128xf32>, vector<128x64xf32>, vector<128x64xf32> -> vector<128x64xf32>
    %get3A_30 = arith.constant 0 : index
    %get3A_31 = arith.constant 0 : index
    %get3A_32 = vector.load %arg7[%get3A_30, %get3A_31] : memref<8x64xf32, #tpu.memory_space<vmem>>, vector<1x64xf32>
    %sub3A = arith.constant 1.000000e+00 : f32
    %sub3A_33 = vector.broadcast %sub3A : f32 to vector<128x64xf32>
    %sub3A_34 = arith.subf %dot_general3A_29, %sub3A_33 : vector<128x64xf32>
    %add3A_35 = vector.broadcast %get3A_32 : vector<1x64xf32> to vector<128x64xf32>
    %add3A_36 = arith.addf %sub3A_34, %add3A_35 : vector<128x64xf32>
    %mul3A = arith.mulf %convert_element_type3A_22, %add3A_36 : vector<128x64xf32>
    %reduce_sum3A = arith.constant dense<0.000000e+00> : vector<128xf32>
    %reduce_sum3A_37 = vector.multi_reduction <add>, %mul3A, %reduce_sum3A [1] : vector<128x64xf32> to vector<128xf32>
    %broadcast_in_dim3A_38 = vector.shape_cast %reduce_sum3A_37 : vector<128xf32> to vector<128x1xf32>
    %broadcast_in_dim3A_39 = vector.shape_cast %broadcast_in_dim3A_18 : vector<128x1xi32> to vector<128x1xi32>
    %broadcast_in_dim3A_40 = vector.broadcast %broadcast_in_dim3A_39 : vector<128x1xi32> to vector<128x128xi32>
    %swap3A = arith.constant 0 : index
    %swap3A_41 = arith.constant 0 : index
    %swap3A_42 = vector.load %arg4[%swap3A, %swap3A_41] : memref<128x128xi32, #tpu.memory_space<vmem>>, vector<128x128xi32>
    tpu.vector_store %arg4[%swap3A, %swap3A_41], %broadcast_in_dim3A_40 {strides = array<i32>} : memref<128x128xi32, #tpu.memory_space<vmem>>, vector<128x128xi32>,
    %convert_element_type3A_43 = arith.fptosi %broadcast_in_dim3A_38 : vector<128x1xf32> to vector<128x1xi32>
    %broadcast_in_dim3A_44 = vector.shape_cast %convert_element_type3A_43 : vector<128x1xi32> to vector<128x1xi32>
    %broadcast_in_dim3A_45 = vector.broadcast %broadcast_in_dim3A_44 : vector<128x1xi32> to vector<128x128xi32>
    %swap3A_46 = arith.constant 0 : index
    %swap3A_47 = arith.constant 0 : index
    %swap3A_48 = vector.load %arg5[%swap3A_46, %swap3A_47] : memref<128x128xi32, #tpu.memory_space<vmem>>, vector<128x128xi32>
    tpu.vector_store %arg5[%swap3A_46, %swap3A_47], %broadcast_in_dim3A_45 {strides = array<i32>} : memref<128x128xi32, #tpu.memory_space<vmem>>, vector<128x128xi32>,
    %reduce_sum3A_49 = arith.constant dense<0.000000e+00> : vector<64xf32>
    %reduce_sum3A_50 = vector.multi_reduction <add>, %convert_element_type3A_22, %reduce_sum3A_49 [0] : vector<128x64xf32> to vector<64xf32>
    %broadcast_in_dim3A_51 = vector.shape_cast %reduce_sum3A_50 : vector<64xf32> to vector<1x64xf32>
    %add3A_52 = arith.addf %get3A_32, %broadcast_in_dim3A_51 : vector<1x64xf32>
    %swap3A_53 = arith.constant 0 : index
    %swap3A_54 = arith.constant 0 : index
    %swap3A_55 = vector.load %arg7[%swap3A_53, %swap3A_54] : memref<8x64xf32, #tpu.memory_space<vmem>>, vector<1x64xf32>
    tpu.vector_store %arg7[%swap3A_53, %swap3A_54], %add3A_52 {strides = array<i32>} : memref<8x64xf32, #tpu.memory_space<vmem>>, vector<1x64xf32>,
    %eq3A_56 = arith.constant 31 : i32
    %eq3A_57 = arith.cmpi eq, %arg0, %eq3A_56 : i32
    %convert_element_type3A_58 = arith.extui %eq3A_57 : i1 to i32
    %cond3A_59 = arith.constant 0 : i32
    %cond3A_60 = arith.cmpi ne, %convert_element_type3A_58, %cond3A_59 : i32
    scf.if %cond3A_60 {
      %broadcast_in_dim3A_61 = vector.shape_cast %add3A_52 : vector<1x64xf32> to vector<1x64xf32>
      %broadcast_in_dim3A_62 = vector.broadcast %broadcast_in_dim3A_61 : vector<1x64xf32> to vector<8x64xf32>
      %convert_element_type3A_63 = arith.fptosi %broadcast_in_dim3A_62 : vector<8x64xf32> to vector<8x64xi32>
      %swap3A_64 = arith.constant 0 : index
      %swap3A_65 = arith.constant 0 : index
      %swap3A_66 = vector.load %arg6[%swap3A_64, %swap3A_65] : memref<8x64xi32, #tpu.memory_space<vmem>>, vector<8x64xi32>
      tpu.vector_store %arg6[%swap3A_64, %swap3A_65], %convert_element_type3A_63 {strides = array<i32>} : memref<8x64xi32, #tpu.memory_space<vmem>>, vector<8x64xi32>,
    } else {
    }
    return
  }
  func.func @transform_0(%arg0: i32) -> (i32, i32) {
    %c0_i32 = arith.constant 0 : i32
    %c0_i32_0 = arith.constant 0 : i32
    return %arg0, %c0_i32 : i32, i32
  }
  func.func @transform_1(%arg0: i32) -> (i32, i32) {
    %c0_i32 = arith.constant 0 : i32
    %c0_i32_0 = arith.constant 0 : i32
    %c0_i32_1 = arith.constant 0 : i32
    return %c0_i32, %c0_i32_0 : i32, i32
  }
  func.func @transform_2(%arg0: i32) -> (i32, i32) {
    %c0_i32 = arith.constant 0 : i32
    %c0_i32_0 = arith.constant 0 : i32
    %c0_i32_1 = arith.constant 0 : i32
    return %c0_i32, %c0_i32_0 : i32, i32
  }
  func.func @transform_3(%arg0: i32) -> (i32, i32) {
    %c0_i32 = arith.constant 0 : i32
    %c0_i32_0 = arith.constant 0 : i32
    return %arg0, %c0_i32 : i32, i32
  }
  func.func @transform_4(%arg0: i32) -> (i32, i32) {
    %c0_i32 = arith.constant 0 : i32
    %c0_i32_0 = arith.constant 0 : i32
    return %arg0, %c0_i32 : i32, i32
  }
  func.func @transform_5(%arg0: i32) -> (i32, i32) {
    %c0_i32 = arith.constant 0 : i32
    %c0_i32_0 = arith.constant 0 : i32
    %c0_i32_1 = arith.constant 0 : i32
    return %c0_i32, %c0_i32_0 : i32, i32
  }
}

module attributes {stable_mosaic.version = 14 : i64} {
  func.func @_expert_body(%arg0: i32, %arg1: memref<96xi32, #tpu.memory_space<smem>>, %arg2: memref<1xi32, #tpu.memory_space<smem>>, %arg3: memref<128x1024xf32, #tpu.memory_space<vmem>>, %arg4: memref<1x1024x512xf32, #tpu.memory_space<vmem>>, %arg5: memref<1x1x512xf32, #tpu.memory_space<vmem>>, %arg6: memref<1x512x1024xf32, #tpu.memory_space<vmem>>, %arg7: memref<1x1x1024xf32, #tpu.memory_space<vmem>>, %arg8: memref<1x1024x1024xf32, #tpu.memory_space<vmem>>, %arg9: memref<1x1x1024xf32, #tpu.memory_space<vmem>>, %arg10: memref<128x1024xf32, #tpu.memory_space<vmem>>) attributes {dimension_semantics = [#tpu.dimension_semantics<arbitrary>], iteration_bounds = array<i64: 96>, scalar_prefetch = 2 : i64, scratch_operands = 0 : i64, tpu.core_type = #tpu.core_type<tc>, window_params = [{transform_indices = @transform_0, window_bounds = array<i64: 128, 1024>}, {transform_indices = @transform_1, window_bounds = array<i64: 1, 1024, 512>}, {transform_indices = @transform_2, window_bounds = array<i64: 1, 1, 512>}, {transform_indices = @transform_3, window_bounds = array<i64: 1, 512, 1024>}, {transform_indices = @transform_4, window_bounds = array<i64: 1, 1, 1024>}, {transform_indices = @transform_5, window_bounds = array<i64: 1, 1024, 1024>}, {transform_indices = @transform_6, window_bounds = array<i64: 1, 1, 1024>}, {transform_indices = @transform_7, window_bounds = array<i64: 128, 1024>}]} {
    %get3A = arith.constant 0 : index
    %get3A_0 = memref.load %arg2[%get3A] : memref<1xi32, #tpu.memory_space<smem>>
    %lt3A = arith.cmpi slt, %arg0, %get3A_0 : i32
    %convert_element_type3A = arith.extui %lt3A : i1 to i32
    %cond3A = arith.constant 0 : i32
    %cond3A_1 = arith.cmpi ne, %convert_element_type3A, %cond3A : i32
    scf.if %cond3A_1 {
      %get3A_2 = arith.constant 0 : index
      %get3A_3 = arith.constant 0 : index
      %get3A_4 = vector.load %arg3[%get3A_2, %get3A_3] : memref<128x1024xf32, #tpu.memory_space<vmem>>, vector<128x1024xf32>
      %get3A_5 = arith.constant 0 : index
      %get3A_6 = arith.constant 0 : index
      %get3A_7 = arith.constant 0 : index
      %get3A_8 = vector.load %arg4[%get3A_5, %get3A_6, %get3A_7] : memref<1x1024x512xf32, #tpu.memory_space<vmem>>, vector<1x1024x512xf32>
      %get3A_9 = vector.shape_cast %get3A_8 : vector<1x1024x512xf32> to vector<1024x512xf32>
      %convert_element_type3A_10 = arith.truncf %get3A_4 : vector<128x1024xf32> to vector<128x1024xbf16>
      %convert_element_type3A_11 = arith.truncf %get3A_9 : vector<1024x512xf32> to vector<1024x512xbf16>
      %dot_general3A = arith.constant dense<0.000000e+00> : vector<128x512xf32>
      %dot_general3A_12 = tpu.matmul %convert_element_type3A_10, %convert_element_type3A_11, %dot_general3A {dimension_numbers = #tpu.dot_dimension_numbers<[1], [0], [0], [1], [0, 0, 1, 1], [], []>, transpose_lhs_hint = false} : vector<128x1024xbf16>, vector<1024x512xbf16>, vector<128x512xf32> -> vector<128x512xf32>
      %get3A_13 = arith.constant 0 : index
      %get3A_14 = arith.constant 0 : index
      %get3A_15 = arith.constant 0 : index
      %get3A_16 = vector.load %arg5[%get3A_13, %get3A_14, %get3A_15] : memref<1x1x512xf32, #tpu.memory_space<vmem>>, vector<1x1x512xf32>
      %get3A_17 = vector.shape_cast %get3A_16 : vector<1x1x512xf32> to vector<1x512xf32>
      %add3A = vector.broadcast %get3A_17 : vector<1x512xf32> to vector<128x512xf32>
      %add3A_18 = arith.addf %dot_general3A_12, %add3A : vector<128x512xf32>
      %mul3A = arith.constant 5.000000e-01 : f32
      %mul3A_19 = vector.broadcast %mul3A : f32 to vector<128x512xf32>
      %mul3A_20 = arith.mulf %mul3A_19, %add3A_18 : vector<128x512xf32>
      %mul3A_21 = arith.constant 0.707106769 : f32
      %mul3A_22 = vector.broadcast %mul3A_21 : f32 to vector<128x512xf32>
      %mul3A_23 = arith.mulf %add3A_18, %mul3A_22 : vector<128x512xf32>
      %erf3A = math.erf %mul3A_23 : vector<128x512xf32>
      %add3A_24 = arith.constant 1.000000e+00 : f32
      %add3A_25 = vector.broadcast %add3A_24 : f32 to vector<128x512xf32>
      %add3A_26 = arith.addf %add3A_25, %erf3A : vector<128x512xf32>
      %mul3A_27 = arith.mulf %mul3A_20, %add3A_26 : vector<128x512xf32>
      %get3A_28 = arith.constant 0 : index
      %get3A_29 = arith.constant 0 : index
      %get3A_30 = arith.constant 0 : index
      %get3A_31 = vector.load %arg6[%get3A_28, %get3A_29, %get3A_30] : memref<1x512x1024xf32, #tpu.memory_space<vmem>>, vector<1x512x1024xf32>
      %get3A_32 = vector.shape_cast %get3A_31 : vector<1x512x1024xf32> to vector<512x1024xf32>
      %convert_element_type3A_33 = arith.truncf %mul3A_27 : vector<128x512xf32> to vector<128x512xbf16>
      %convert_element_type3A_34 = arith.truncf %get3A_32 : vector<512x1024xf32> to vector<512x1024xbf16>
      %dot_general3A_35 = arith.constant dense<0.000000e+00> : vector<128x1024xf32>
      %dot_general3A_36 = tpu.matmul %convert_element_type3A_33, %convert_element_type3A_34, %dot_general3A_35 {dimension_numbers = #tpu.dot_dimension_numbers<[1], [0], [0], [1], [0, 0, 1, 1], [], []>, transpose_lhs_hint = false} : vector<128x512xbf16>, vector<512x1024xbf16>, vector<128x1024xf32> -> vector<128x1024xf32>
      %get3A_37 = arith.constant 0 : index
      %get3A_38 = arith.constant 0 : index
      %get3A_39 = arith.constant 0 : index
      %get3A_40 = vector.load %arg7[%get3A_37, %get3A_38, %get3A_39] : memref<1x1x1024xf32, #tpu.memory_space<vmem>>, vector<1x1x1024xf32>
      %get3A_41 = vector.shape_cast %get3A_40 : vector<1x1x1024xf32> to vector<1x1024xf32>
      %add3A_42 = vector.broadcast %get3A_41 : vector<1x1024xf32> to vector<128x1024xf32>
      %add3A_43 = arith.addf %dot_general3A_36, %add3A_42 : vector<128x1024xf32>
      %mul3A_44 = arith.constant 5.000000e-01 : f32
      %mul3A_45 = vector.broadcast %mul3A_44 : f32 to vector<128x1024xf32>
      %mul3A_46 = arith.mulf %mul3A_45, %add3A_43 : vector<128x1024xf32>
      %mul3A_47 = arith.constant 0.707106769 : f32
      %mul3A_48 = vector.broadcast %mul3A_47 : f32 to vector<128x1024xf32>
      %mul3A_49 = arith.mulf %add3A_43, %mul3A_48 : vector<128x1024xf32>
      %erf3A_50 = math.erf %mul3A_49 : vector<128x1024xf32>
      %add3A_51 = arith.constant 1.000000e+00 : f32
      %add3A_52 = vector.broadcast %add3A_51 : f32 to vector<128x1024xf32>
      %add3A_53 = arith.addf %add3A_52, %erf3A_50 : vector<128x1024xf32>
      %mul3A_54 = arith.mulf %mul3A_46, %add3A_53 : vector<128x1024xf32>
      %get3A_55 = arith.constant 0 : index
      %get3A_56 = arith.constant 0 : index
      %get3A_57 = arith.constant 0 : index
      %get3A_58 = vector.load %arg8[%get3A_55, %get3A_56, %get3A_57] : memref<1x1024x1024xf32, #tpu.memory_space<vmem>>, vector<1x1024x1024xf32>
      %get3A_59 = vector.shape_cast %get3A_58 : vector<1x1024x1024xf32> to vector<1024x1024xf32>
      %convert_element_type3A_60 = arith.truncf %mul3A_54 : vector<128x1024xf32> to vector<128x1024xbf16>
      %convert_element_type3A_61 = arith.truncf %get3A_59 : vector<1024x1024xf32> to vector<1024x1024xbf16>
      %dot_general3A_62 = arith.constant dense<0.000000e+00> : vector<128x1024xf32>
      %dot_general3A_63 = tpu.matmul %convert_element_type3A_60, %convert_element_type3A_61, %dot_general3A_62 {dimension_numbers = #tpu.dot_dimension_numbers<[1], [0], [0], [1], [0, 0, 1, 1], [], []>, transpose_lhs_hint = false} : vector<128x1024xbf16>, vector<1024x1024xbf16>, vector<128x1024xf32> -> vector<128x1024xf32>
      %get3A_64 = arith.constant 0 : index
      %get3A_65 = arith.constant 0 : index
      %get3A_66 = arith.constant 0 : index
      %get3A_67 = vector.load %arg9[%get3A_64, %get3A_65, %get3A_66] : memref<1x1x1024xf32, #tpu.memory_space<vmem>>, vector<1x1x1024xf32>
      %get3A_68 = vector.shape_cast %get3A_67 : vector<1x1x1024xf32> to vector<1x1024xf32>
      %add3A_69 = vector.broadcast %get3A_68 : vector<1x1024xf32> to vector<128x1024xf32>
      %add3A_70 = arith.addf %dot_general3A_63, %add3A_69 : vector<128x1024xf32>
      %swap3A = arith.constant 0 : index
      %swap3A_71 = arith.constant 0 : index
      %swap3A_72 = vector.load %arg10[%swap3A, %swap3A_71] : memref<128x1024xf32, #tpu.memory_space<vmem>>, vector<128x1024xf32>
      tpu.vector_store %arg10[%swap3A, %swap3A_71], %add3A_70 {strides = array<i32>} : memref<128x1024xf32, #tpu.memory_space<vmem>>, vector<128x1024xf32>,
    } else {
    }
    return
  }
  func.func @transform_0(%arg0: i32, %arg1: memref<96xi32, #tpu.memory_space<smem>>, %arg2: memref<1xi32, #tpu.memory_space<smem>>) -> (i32, i32) {
    %get3A = arith.constant 0 : index
    %get3A_0 = memref.load %arg2[%get3A] : memref<1xi32, #tpu.memory_space<smem>>
    %sub3A = arith.constant 1 : i32
    %sub3A_1 = arith.subi %get3A_0, %sub3A : i32
    %min3A = arith.minsi %arg0, %sub3A_1 : i32
    %c0_i32 = arith.constant 0 : i32
    %c0_i32_2 = arith.constant 0 : i32
    return %min3A, %c0_i32 : i32, i32
  }
  func.func @transform_1(%arg0: i32, %arg1: memref<96xi32, #tpu.memory_space<smem>>, %arg2: memref<1xi32, #tpu.memory_space<smem>>) -> (i32, i32, i32) {
    %get3A = arith.index_cast %arg0 : i32 to index
    %get3A_0 = memref.load %arg1[%get3A] : memref<96xi32, #tpu.memory_space<smem>>
    %c0_i32 = arith.constant 0 : i32
    %c0_i32_1 = arith.constant 0 : i32
    %c0_i32_2 = arith.constant 0 : i32
    return %get3A_0, %c0_i32, %c0_i32_1 : i32, i32, i32
  }
  func.func @transform_2(%arg0: i32, %arg1: memref<96xi32, #tpu.memory_space<smem>>, %arg2: memref<1xi32, #tpu.memory_space<smem>>) -> (i32, i32, i32) {
    %get3A = arith.index_cast %arg0 : i32 to index
    %get3A_0 = memref.load %arg1[%get3A] : memref<96xi32, #tpu.memory_space<smem>>
    %c0_i32 = arith.constant 0 : i32
    %c0_i32_1 = arith.constant 0 : i32
    %c0_i32_2 = arith.constant 0 : i32
    return %get3A_0, %c0_i32, %c0_i32_1 : i32, i32, i32
  }
  func.func @transform_3(%arg0: i32, %arg1: memref<96xi32, #tpu.memory_space<smem>>, %arg2: memref<1xi32, #tpu.memory_space<smem>>) -> (i32, i32, i32) {
    %get3A = arith.index_cast %arg0 : i32 to index
    %get3A_0 = memref.load %arg1[%get3A] : memref<96xi32, #tpu.memory_space<smem>>
    %c0_i32 = arith.constant 0 : i32
    %c0_i32_1 = arith.constant 0 : i32
    %c0_i32_2 = arith.constant 0 : i32
    return %get3A_0, %c0_i32, %c0_i32_1 : i32, i32, i32
  }
  func.func @transform_4(%arg0: i32, %arg1: memref<96xi32, #tpu.memory_space<smem>>, %arg2: memref<1xi32, #tpu.memory_space<smem>>) -> (i32, i32, i32) {
    %get3A = arith.index_cast %arg0 : i32 to index
    %get3A_0 = memref.load %arg1[%get3A] : memref<96xi32, #tpu.memory_space<smem>>
    %c0_i32 = arith.constant 0 : i32
    %c0_i32_1 = arith.constant 0 : i32
    %c0_i32_2 = arith.constant 0 : i32
    return %get3A_0, %c0_i32, %c0_i32_1 : i32, i32, i32
  }
  func.func @transform_5(%arg0: i32, %arg1: memref<96xi32, #tpu.memory_space<smem>>, %arg2: memref<1xi32, #tpu.memory_space<smem>>) -> (i32, i32, i32) {
    %get3A = arith.index_cast %arg0 : i32 to index
    %get3A_0 = memref.load %arg1[%get3A] : memref<96xi32, #tpu.memory_space<smem>>
    %c0_i32 = arith.constant 0 : i32
    %c0_i32_1 = arith.constant 0 : i32
    %c0_i32_2 = arith.constant 0 : i32
    return %get3A_0, %c0_i32, %c0_i32_1 : i32, i32, i32
  }
  func.func @transform_6(%arg0: i32, %arg1: memref<96xi32, #tpu.memory_space<smem>>, %arg2: memref<1xi32, #tpu.memory_space<smem>>) -> (i32, i32, i32) {
    %get3A = arith.index_cast %arg0 : i32 to index
    %get3A_0 = memref.load %arg1[%get3A] : memref<96xi32, #tpu.memory_space<smem>>
    %c0_i32 = arith.constant 0 : i32
    %c0_i32_1 = arith.constant 0 : i32
    %c0_i32_2 = arith.constant 0 : i32
    return %get3A_0, %c0_i32, %c0_i32_1 : i32, i32, i32
  }
  func.func @transform_7(%arg0: i32, %arg1: memref<96xi32, #tpu.memory_space<smem>>, %arg2: memref<1xi32, #tpu.memory_space<smem>>) -> (i32, i32) {
    %get3A = arith.constant 0 : index
    %get3A_0 = memref.load %arg2[%get3A] : memref<1xi32, #tpu.memory_space<smem>>
    %sub3A = arith.constant 1 : i32
    %sub3A_1 = arith.subi %get3A_0, %sub3A : i32
    %min3A = arith.minsi %arg0, %sub3A_1 : i32
    %c0_i32 = arith.constant 0 : i32
    %c0_i32_2 = arith.constant 0 : i32
    return %min3A, %c0_i32 : i32, i32
  }
}

</mosaic_0001>

<sc_bundles>
// kernel: kernel.6.cloned.1.call-start
scs
__scs_entry_jumppad:
0x0: {  	(pc) =	sbr.rel $0x88, $3  }
0x1: {  	(tag) =	ssettag $0x0;
	lr =	simm.s32 $0x1  }
0x2: {  	[smem:$0x3F98] =	sst lr;
	_ =	strace $0xD0000000  }
0x3: {  	_ = 	snop  }
0x4: {  	_ = 	snop  }
0x5: {  	_ = 	snop  }
0x6: {  	_ = 	snop  }
0x7: {  	_ = 	snop  }
__scs_overlays_trampoline_lowered:
0x8: {  	[smem:$0x3FA7] =	sst s0  }
0x9: {  	[smem:$0x3FA8] =	sst s1  }
0xa: {  	[smem:$0x3FA9] =	sst s2  }
0xb: {  	[smem:$0x3FAA] =	sst s3  }
0xc: {  	[smem:$0x3FAB] =	sst s4  }
0xd: {  	[smem:$0x3FAC] =	sst s5  }
0xe: {  	[smem:$0x3FAD] =	sst s6  }
0xf: {  	[smem:$0x3FAE] =	sst s7  }
0x10: {  	[smem:$0x3FAF] =	sst s8  }
0x11: {  	[smem:$0x3FB0] =	sst s9;
	s0 =	simm.s32 @!p0 $0x0  }
0x12: {  	s1 =	sld [smem:$0x3F96];
	s0 =	simm.s32 @p0 $0x1  }
0x13: {  	[smem:$0x3FB1] =	sst s0;
	s0 =	simm.s32 @!p1 $0x0  }
0x14: {  	s2 =	sld [smem:$0x3F95];
	s0 =	simm.s32 @p1 $0x1  }
0x15: {  	[smem:$0x3FB2] =	sst s0;
	s0 =	simm.s32 @!p2 $0x0  }
0x16: {  	s3 =	sld [smem:$0x3FDB];
	s0 =	simm.s32 @p2 $0x1  }
0x17: {  	s4 =	simm.s32 $0x1BF5;
	[smem:$0x3FB4] =	sst s0  }
0x18: {  	s0 =	sld [smem:$0x3F97];
	_ =	swait.ge [sflag:s4], $0x0  }
0x19: {  	s7 =	sld [smem:$0x3F98]  }
0x1a: {  	s8 =	sadd.s32 $0xFFFFE003, lr  }
0x1b: {  	s9 =	sadd.s32 $0xFFFFFEF7, lr;
	s5 =	simm.s32 $0xFFFFFFFF;
	p2 =	slt.u32 s8, $0xFFFFF086  }
0x1c: {  	p1 =	slt.u32 s9, $0xF7A;
	s5 =	simm.s32 @!p2 $0x0  }
0x1d: {  	s5 =	simm.s32 @p1 $0x1;
	p0 =	seq.s32 s7, s2  }
0x1e: {  	s7 =	smul.u32 @!p0 $0xF7A, s2;
	p2 =	seq.s32 @!p0 s5, $0x0  }
0x1f: {  	s9 =	smul.u32 $0xF7A, s1;
	s8 =	simm.s32 @!p0 $0x1BF5;
	p2 =	por !p2, p0  }
0x20: {  	[sflag:s8] =	ssyncset.s32 @!p0 $0xFFFFF086;
	s6 =	sadd.s32 @!p0 s3, s7;
	s7 =	simm.s32 @!p0 $0x108  }
0x21: {  	s3 =	sadd.s32 s3, s9;
	s6 =	sadd.s32 @!p0 $0x88, s6;
	s7 =	simm.s32 @p2 $0x1082  }
0x22: {  	[simem:s7], [sflag:s8] =	dma.local @!p0 [hbm:s6], $0xF7A  }
0x23: {  	s9 =	sor.u32 $0xD0000000, s2;
	s6 =	simm.s32 $0x108;
	_ =	swait.ge @!p0 [sflag:s8], $0x0  }
0x24: {  	s3 =	sadd.s32 $0x88, s3;
	s6 =	simm.s32 @!p1 $0x1082;
	[sflag:s4] =	ssyncset.s32 $0xFFFFF086  }
0x25: {  	[simem:s6], [sflag:s4] =	dma.local [hbm:s3], $0xF7A  }
0x26: {  	[smem:$0x3F98] =	sst s1;
	(tag) =	ssettag s2;
	_ =	strace s9  }
0x27: {  	s1 =	sld [smem:$0x3FA8]  }
0x28: {  	s2 =	sld [smem:$0x3FA9]  }
0x29: {  	s4 =	sld [smem:$0x3FAB]  }
0x2a: {  	p0 =	seq.s32 s5, $0x0;
	s5 =	sld [smem:$0x3FAC]  }
0x2b: {  	s6 =	sld [smem:$0x3FAD]  }
0x2c: {  	s7 =	sld [smem:$0x3FAE]  }
0x2d: {  	s3 =	simm.s32 $0x108;
	s8 =	sld [smem:$0x3FAF]  }
0x2e: {  	s3 =	simm.s32 @!p0 $0x1082;
	s9 =	sld [smem:$0x3FB0]  }
0x2f: {  	lr =	sadd.s32 s0, s3;
	s0 =	sld [smem:$0x3FA7]  }
0x30: {  	s3 =	sld [smem:$0x3FAA]  }
0x31: {  	[smem:$0x3FB3] =	sst s10  }
0x32: {  	s10 =	sld [smem:$0x3FB1];
	_ =	sdelay $0x3  }
0x33: {  	p0 =	seq.s32 s10, $0x1;
	s10 =	sld [smem:$0x3FB3];
	_ =	sdelay $0x3  }
0x34: {  	[smem:$0x3FB3] =	sst s10  }
0x35: {  	s10 =	sld [smem:$0x3FB2];
	_ =	sdelay $0x3  }
0x36: {  	p1 =	seq.s32 s10, $0x1;
	s10 =	sld [smem:$0x3FB3];
	_ =	sdelay $0x3  }
0x37: {  	[smem:$0x3FB3] =	sst s10  }
0x38: {  	s10 =	sld [smem:$0x3FB4]  }
0x39: {  	_ = 	snop;
	(pc) =	sbr.ind lr, $3  }
0x3a: {  	_ = 	snop  }
0x3b: {  	_ = 	snop  }
0x3c: {  	p2 =	seq.s32 s10, $0x1;
	s10 =	sld [smem:$0x3FB3]  }
0x3d: {  	_ =	shalt  }
0x3e: {  	_ =	shalt  }
0x3f: {  	_ =	shalt  }
0x40: {  	_ =	shalt  }
0x41: {  	_ =	shalt  }
0x42: {  	_ =	shalt  }
0x43: {  	_ =	shalt  }
0x44: {  	_ =	shalt  }
0x45: {  	_ =	shalt  }
0x46: {  	_ =	shalt  }
0x47: {  	_ =	shalt  }
0x48: {  	_ =	shalt  }
0x49: {  	_ =	shalt  }
0x4a: {  	_ =	shalt  }
0x4b: {  	_ =	shalt  }
0x4c: {  	_ =	shalt  }
0x4d: {  	_ =	shalt  }
0x4e: {  	_ =	shalt  }
0x4f: {  	_ =	shalt  }
0x50: {  	_ =	shalt  }
0x51: {  	_ =	shalt  }
0x52: {  	_ =	shalt  }
0x53: {  	_ =	shalt  }
0x54: {  	_ =	shalt  }
0x55: {  	_ =	shalt  }
0x56: {  	_ =	shalt  }
0x57: {  	_ =	shalt  }
0x58: {  	_ =	shalt  }
0x59: {  	_ =	shalt  }
0x5a: {  	_ =	shalt  }
0x5b: {  	_ =	shalt  }
0x5c: {  	_ =	shalt  }
0x5d: {  	_ =	shalt  }
0x5e: {  	_ =	shalt  }
0x5f: {  	_ =	shalt  }
0x60: {  	_ =	shalt  }
0x61: {  	_ =	shalt  }
0x62: {  	_ =	shalt  }
0x63: {  	_ =	shalt  }
0x64: {  	_ =	shalt  }
0x65: {  	_ =	shalt  }
0x66: {  	_ =	shalt  }
0x67: {  	_ =	shalt  }
0x68: {  	_ =	shalt  }
0x69: {  	_ =	shalt  }
0x6a: {  	_ =	shalt  }
0x6b: {  	_ =	shalt  }
0x6c: {  	_ =	shalt  }
0x6d: {  	_ =	shalt  }
0x6e: {  	_ =	shalt  }
0x6f: {  	_ =	shalt  }
0x70: {  	_ =	shalt  }
0x71: {  	_ =	shalt  }
0x72: {  	_ =	shalt  }
0x73: {  	_ =	shalt  }
0x74: {  	_ =	shalt  }
0x75: {  	_ =	shalt  }
0x76: {  	_ =	shalt  }
0x77: {  	_ =	shalt  }
0x78: {  	_ =	shalt  }
0x79: {  	_ =	shalt  }
0x7a: {  	_ =	shalt  }
0x7b: {  	_ =	shalt  }
0x7c: {  	_ =	shalt  }
0x7d: {  	_ =	shalt  }
0x7e: {  	_ =	shalt  }
0x7f: {  	_ =	shalt  }
0x80: {  	_ =	shalt  }
0x81: {  	_ =	shalt  }
0x82: {  	_ =	shalt  }
0x83: {  	_ =	shalt  }
0x84: {  	_ =	shalt  }
0x85: {  	_ =	shalt  }
0x86: {  	_ =	shalt  }
0x87: {  	_ =	shalt  }
.Lfunc_end0:
.L_simem_size_0:
called_computation_lowered:
.L_overlay_start_0:
0x88: {  	s2 =	sld [smem:$0x3FD9]  }
0x89: {  	s3 =	sld [smem:$0x3FFE];
	_ =	sdelay $0x1  }
0x8a: {  	s1 =	srdreg.scid  }
0x8b: {  	s0 =	sand.u32 $0x1, s1  }
0x8c: {  	s17 =	sshll.u32 s0, $0xA;
	s2 =	sadd.s32 s3, s2  }
0x8d: {  	s2 =	sadd.s32 s2, s17  }
0x8e: {  	[smem:$0x3FBF] =	sst s2  }
0x8f: {  	_ = 	snop  }
0x90: {  	s2 =	sld [smem:$0x3FC9]  }
0x91: {  	s18 =	sld [smem:$0x3FD0];
	(tm) =	ssettm $0x1  }
0x92: {  	s4 =	sld [smem:$0x3FFB];
	_ =	sdelay $0x3  }
0x93: {  	_ =	strace s4  }
0x94: {  	s4 =	sld [smem:$0x3FFC];
	_ =	sdelay $0x3  }
0x95: {  	_ =	strace s4  }
0x96: {  	s4 =	sld [smem:$0x3FFD];
	_ =	sdelay $0x3  }
0x97: {  	_ =	strace s4  }
0x98: {  	_ =	strace $0x8FFFFFFF  }
0x99: {  	s19 =	sld [smem:$0x3FDB];
	_ =	sdelay $0x1  }
0x9a: {  	s5 =	simm.s32 $_scs_section_size  }
0x9b: {  	s6 =	simm.s32 $_size__tile_overlayer_lowered;
	s7 =	simm.s32 $_tile_overlayer_lowered  }
0x9c: {  	s22 =	simm.s32 $0x1BFF;
	s21 =	sshll.u32 s7, $0x1;
	s4 =	sadd.s32 s5, s19  }
0x9d: {  	s8 =	simm.s32 $0x0;
	s20 =	sshll.u32 s6, $0x1;
	s6 =	sadd.s32 s21, s4  }
0x9e: {  	[timem:s8], [sflag:s22] =	dma.local [hbm:s6], s20  }
0x9f: {  	_ =	swait.ge [sflag:s22], s20  }
0xa0: {  	s5 =	ssub.s32 $0x0, s20;
	[sflag:s22] =	ssyncset.done $0x0  }
0xa1: {  	[sflag:s22] =	ssyncadd.s32 s5;
	_ =	sdelay $0x1  }
0xa2: {  	s23 =	simm.s32 $0x1B8B  }
0xa3: {  	_ =	swait.ge [sflag:s23], $0x1  }
0xa4: {  	[sflag:s23] =	ssyncset.done $0x0  }
0xa5: {  	s25 =	simm.s32 $0x1B8E;
	s24 =	sld [smem:$0x3FFE];
	[sflag:s23] =	ssyncadd.s32 $0xFFFFFFFF  }
0xa6: {  	s26 =	simm.s32 $execute0_lowered;
	[smem:$0x3FD2] =	sst s25  }
0xa7: {  	s6 =	sshll.u32 s26, $0x1;
	_ =	strace $0x80000046;
	[dreg:$0x1] =	wrdreg $0xFFFFFFFF  }
0xa8: {  	s28 =	simm.s32 $_size_execute0_lowered;
	s4 =	sadd.s32 s4, s6;
	[dreg:$0x0] =	wrdreg $0x0  }
0xa9: {  	s6 =	sshll.u32 s28, $0x1;
	[dreg:$0x2] =	wrdreg s4  }
0xaa: {  	[dreg:$0x3] =	wrdreg s6  }
0xab: {  	[dreg:$0x4] =	wrdreg $0xC0  }
0xac: {  	_ =	task [dreg:s8], $0x5FFFF  }
0xad: {  	[dreg:$0x1] =	wrdreg $0xFFFFFFFF  }
0xae: {  	[dreg:$0x0] =	wrdreg $0x60  }
0xaf: {  	[dreg:$0x2] =	wrdreg s2  }
0xb0: {  	[dreg:$0x3] =	wrdreg s18  }
0xb1: {  	[dreg:$0x4] =	wrdreg s24  }
0xb2: {  	[dreg:$0x5] =	wrdreg $0x9  }
0xb3: {  	_ =	task.clear_ibuf [dreg:s8], $0x6FFFF;
	_ =	strace $0x90000046  }
0xb4: {  	s29 =	simm.s32 $0x9;
	_ =	strace $0x80000048  }
0xb5: {  	_ =	swait.ge [sflag:s29], $0x1  }
0xb6: {  	[sflag:s29] =	ssyncadd.s32 $0xFFFFFFFF  }
0xb7: {  	_ =	strace $0x90000048  }
0xb8: {  	_ =	sfence  }
0xb9: {  	s30 =	sld [smem:$0x0];
	_ =	sdelay $0x2  }
0xba: {  	s31 =	sshll.u32 s1, $0xD;
	s1 =	sshrl.u32 s1, $0x2  }
0xbb: {  	s3 =	sand.u32 $0x4000, s31;
	s1 =	sadd.s32 s1, s30  }
0xbc: {  	s0 =	sor.u32 s3, s0;
	s1 =	sshll.u32 s1, $0x11  }
0xbd: {  	s0 =	sor.u32 s1, s0  }
0xbe: {  	s0 =	sadd.s32 $0x8F2B, s0  }
0xbf: {  	[sflag:s0] =	ssyncadd.remote.s32 $0x1  }
0xc0: {  	_ =	sfence.sel $0xFFFF  }
0xc1: {  	[dreg:$0x0] =	wrdreg $0xFFFFFFFF;
	(pc) =	sbr.abs _section_cstart, $3  }
0xc2: {  	[dreg:$0x1] =	wrdreg $0xFFFFFFFF  }
0xc3: {  	_ =	task.clear_ibuf [dreg:s8], $0x2FFFF;
	_ =	strace $0x9FFFFFFF  }
0xc4: {  	(tm) =	ssettm $0x7FFFFFFF  }
0xc5: {  	_ =	shalt  }
tec
execute0_lowered:
.L_overlay_start_1:
0x0: {  	(tag) =	ssettag $0x1  }
0x1: {  	s1 =	rddreg [dreg:$0x0]  }
0x2: {  	s0 =	rddreg [dreg:$0x1]  }
0x3: {  	s2 =	srdreg.scid;
	s4 =	stileid.u32;
	s3 =	simm.s32 $0x0  }
0x4: {  	[dreg:$0x4] =	wrdreg s0;
	s2 =	sand.u32 $0x1, s2;
	s4 =	sshll.u32 s4, $0x1  }
0x5: {  	[smem:$0x7FF] =	sst s3;
	s5 =	ssub.s32 $0x2, s2;
	s2 =	sor.u32 s2, s4  }
0x6: {  	s0 =	rddreg [dreg:$0x2];
	_ =	strace $0x80000047;
	s6 =	sshll.u32 s2, $0x5  }
0x7: {  	s2 =	sshll.u32 s2, $0xC;
	s30 =	sor.u32 $0x400, s6;
	[dreg:$0x11] =	wrdreg s6  }
0x8: {  	s2 =	sadd.s32 s0, s2;
	[dreg:$0x12] =	wrdreg s30  }
0x9: {  	s7 =	sor.u32 $0x800, s6;
	[dreg:$0x5] =	wrdreg s2  }
0xa: {  	s31 =	simm.s32 $0x1;
	s10 =	sor.u32 $0xC00, s6;
	[dreg:$0x13] =	wrdreg s7  }
0xb: {  	s29 =	sshrl.u32 s5, $0x1;
	s12 =	sor.u32 $0x1000, s6;
	[dreg:$0x14] =	wrdreg s10  }
0xc: {  	s4 =	ssub.s32 s5, s29;
	s14 =	sor.u32 $0x1400, s6;
	[dreg:$0x15] =	wrdreg s12  }
0xd: {  	s17 =	sor.u32 $0x1800, s6;
	s19 =	sor.u32 $0x1C00, s6;
	[dreg:$0x16] =	wrdreg s14  }
0xe: {  	s21 =	sor.u32 $0x2000, s6;
	s24 =	sor.u32 $0x2400, s6;
	[dreg:$0x17] =	wrdreg s17  }
0xf: {  	s26 =	sor.u32 $0x2800, s6;
	s6 =	sor.u32 $0x2C00, s6;
	[dreg:$0x18] =	wrdreg s19  }
0x10: {  	s5 =	sshll.u32 s30, $0x7;
	s9 =	sshll.u32 s7, $0x7;
	[dreg:$0x19] =	wrdreg s21  }
0x11: {  	s13 =	sshll.u32 s10, $0x7;
	s16 =	sshll.u32 s14, $0x7;
	[dreg:$0x1a] =	wrdreg s24  }
0x12: {  	s20 =	sshll.u32 s17, $0x7;
	s23 =	sshll.u32 s21, $0x7;
	[dreg:$0x1b] =	wrdreg s26  }
0x13: {  	s28 =	sshll.u32 s24, $0x7;
	[dreg:$0x1c] =	wrdreg s6;
	s8 =	sadd.s32 s0, s5  }
0x14: {  	s30 =	sshll.u32 s6, $0x7;
	s11 =	sadd.s32 s0, s9;
	[dreg:$0x6] =	wrdreg s8  }
0x15: {  	s17 =	sadd.s32 $0x200, s1;
	s2 =	sadd.s32 s0, s13;
	[dreg:$0x7] =	wrdreg s11  }
0x16: {  	s5 =	sshll.u32 s12, $0x7;
	s18 =	sadd.s32 s0, s16;
	[dreg:$0x8] =	wrdreg s2  }
0x17: {  	s25 =	sadd.s32 s0, s23;
	s16 =	sadd.s32 $0x100, s1;
	[dreg:$0xa] =	wrdreg s18  }
0x18: {  	s12 =	simm.s32 $0x3000;
	s15 =	sadd.s32 s0, s5;
	[dreg:$0xd] =	wrdreg s25  }
0x19: {  	s2 =	sadd.s32 s0, s20;
	s5 =	sshll.u32 s19, $0x7;
	[dreg:$0x9] =	wrdreg s15  }
0x1a: {  	s9 =	simm.s32 $0xB000;
	[dreg:$0xb] =	wrdreg s2;
	s22 =	sadd.s32 s0, s5  }
0x1b: {  	s2 =	sadd.s32 s0, s28;
	s5 =	sshll.u32 s26, $0x7;
	[dreg:$0xc] =	wrdreg s22  }
0x1c: {  	v2 =	vlaneseq.u32;
	s18 =	sadd.s32 $0x300, s1;
	[dreg:$0xe] =	wrdreg s2;
	s29 =	sadd.s32 s0, s5  }
0x1d: {  	vm0 =	vmmov $0xffff;
	v1 =	vshrl.u32 v2, $0x3;
	s19 =	smax.u32 s4, $0x1;
	s0 =	sadd.s32 s0, s30;
	[dreg:$0xf] =	wrdreg s29  }
0x1e: {  	v0 =	vand.u32 $0x7, v2;
	v2 =	vor.u32 $0x8, v2;
	v1 =	vmul.u32 $0x8, v1;
	s20 =	simm.s32 $0x3;
	[dreg:$0x10] =	wrdreg s0;
	s0 =	simm.s32 $0x2  }
.LBB2_1:
0x1f: {  	s2 =	rddreg [dreg:$0x4]  }
0x20: {  	[tilespmem:s3], [sflag:$0x3] =	stream.linear.gather [hbm4b:s2+s3], $0x3000, $0x38;
	[tilespmem:$0x13000] =	vst v63  }
0x21: {  	_ =	swait.ge [sflag:s20], $0x3000  }
0x22: {  	[sflag:s20] =	ssyncset.done $0x0  }
0x23: {  	s29 =	rddreg [dreg:$0x11];
	[sflag:s20] =	ssyncadd.s32 $0xFFFFD000  }
0x24: {  	v3 =	vld [tilespmem:s29+$0x0];
	_ =	sdelay $0x4  }
0x25: {  	v4 =	vshll.u32 v3, $0x3  }
0x26: {  	v3 =	vand.u32 $0x7, v3;
	v4 =	vand.u32 $0xFFFFFFC0, v4  }
0x27: {  	v3 =	vor.u32 v3, v4  }
0x28: {  	v4 =	vperm.xlane v3, v0;
	_ =	sdelay $0x1  }
0x29: {  	v4 =	vadd.s32 v1, v4;
	_ =	sdelay $0x4  }
0x2a: {  	[tilespmem:s12], [sflag:$0x1] =	stream.indirect_vreg.gather [hbm4b:s1+s3], $0x80, v4, vm0, $0xb8;
	[tilespmem:$0x13000] =	vst v63  }
0x2b: {  	s4 =	simm.s32 $0x3800;
	v3 =	vperm.xlane v3, v2  }
0x2c: {  	[tilespmem:s4], [sflag:$0x1] =	stream.indirect_vreg.gather [hbm4b:s16+s3], $0x80, v4, vm0, $0xb8;
	[tilespmem:$0x13000] =	vst v63  }
0x2d: {  	s5 =	simm.s32 $0x4000;
	v3 =	vadd.s32 v1, v3  }
0x2e: {  	[tilespmem:s5], [sflag:$0x1] =	stream.indirect_vreg.gather [hbm4b:s17+s3], $0x80, v4, vm0, $0xb8;
	[tilespmem:$0x13000] =	vst v63  }
0x2f: {  	s6 =	simm.s32 $0x4800  }
0x30: {  	[tilespmem:s6], [sflag:$0x1] =	stream.indirect_vreg.gather [hbm4b:s18+s3], $0x80, v4, vm0, $0xb8;
	[tilespmem:$0x13000] =	vst v63  }
0x31: {  	s7 =	simm.s32 $0x5000  }
0x32: {  	[tilespmem:s7], [sflag:$0x1] =	stream.indirect_vreg.gather [hbm4b:s1+s3], $0x80, v3, vm0, $0xb8;
	[tilespmem:$0x13000] =	vst v63  }
0x33: {  	s8 =	simm.s32 $0x5800  }
0x34: {  	[tilespmem:s8], [sflag:$0x1] =	stream.indirect_vreg.gather [hbm4b:s16+s3], $0x80, v3, vm0, $0xb8;
	[tilespmem:$0x13000] =	vst v63  }
0x35: {  	s10 =	simm.s32 $0x6000  }
0x36: {  	[tilespmem:s10], [sflag:$0x1] =	stream.indirect_vreg.gather [hbm4b:s17+s3], $0x80, v3, vm0, $0xb8;
	[tilespmem:$0x13000] =	vst v63  }
0x37: {  	s11 =	simm.s32 $0x6800  }
0x38: {  	[tilespmem:s11], [sflag:$0x1] =	stream.indirect_vreg.gather [hbm4b:s18+s3], $0x80, v3, vm0, $0xb8;
	[tilespmem:$0x13000] =	vst v63  }
0x39: {  	v3 =	vld [tilespmem:s29+$0x10];
	_ =	sdelay $0x4  }
0x3a: {  	v41 =	vshll.u32 v3, $0x3  }
0x3b: {  	v3 =	vand.u32 $0x7, v3;
	v4 =	vand.u32 $0xFFFFFFC0, v41  }
0x3c: {  	v3 =	vor.u32 v3, v4  }
0x3d: {  	v4 =	vperm.xlane v3, v0;
	_ =	sdelay $0x1  }
0x3e: {  	v4 =	vadd.s32 v1, v4;
	_ =	sdelay $0x3  }
0x3f: {  	s13 =	simm.s32 $0x7000  }
0x40: {  	[tilespmem:s13], [sflag:$0x1] =	stream.indirect_vreg.gather [hbm4b:s1+s3], $0x80, v4, vm0, $0xb8;
	[tilespmem:$0x13000] =	vst v63  }
0x41: {  	s14 =	simm.s32 $0x7800;
	v3 =	vperm.xlane v3, v2  }
0x42: {  	[tilespmem:s14], [sflag:$0x1] =	stream.indirect_vreg.gather [hbm4b:s16+s3], $0x80, v4, vm0, $0xb8;
	[tilespmem:$0x13000] =	vst v63  }
0x43: {  	s15 =	simm.s32 $0x8000;
	v3 =	vadd.s32 v1, v3  }
0x44: {  	[tilespmem:s15], [sflag:$0x1] =	stream.indirect_vreg.gather [hbm4b:s17+s3], $0x80, v4, vm0, $0xb8;
	[tilespmem:$0x13000] =	vst v63  }
0x45: {  	s23 =	simm.s32 $0x8800  }
0x46: {  	[tilespmem:s23], [sflag:$0x1] =	stream.indirect_vreg.gather [hbm4b:s18+s3], $0x80, v4, vm0, $0xb8;
	[tilespmem:$0x13000] =	vst v63  }
0x47: {  	s24 =	simm.s32 $0x9000  }
0x48: {  	[tilespmem:s24], [sflag:$0x1] =	stream.indirect_vreg.gather [hbm4b:s1+s3], $0x80, v3, vm0, $0xb8;
	[tilespmem:$0x13000] =	vst v63  }
0x49: {  	s26 =	simm.s32 $0x9800  }
0x4a: {  	[tilespmem:s26], [sflag:$0x1] =	stream.indirect_vreg.gather [hbm4b:s16+s3], $0x80, v3, vm0, $0xb8;
	[tilespmem:$0x13000] =	vst v63  }
0x4b: {  	s4 =	simm.s32 $0xA000  }
0x4c: {  	[tilespmem:s4], [sflag:$0x1] =	stream.indirect_vreg.gather [hbm4b:s17+s3], $0x80, v3, vm0, $0xb8;
	[tilespmem:$0x13000] =	vst v63  }
0x4d: {  	s10 =	simm.s32 $0xA800;
	s11 =	rddreg [dreg:$0x12]  }
0x4e: {  	[tilespmem:s10], [sflag:$0x1] =	stream.indirect_vreg.gather [hbm4b:s18+s3], $0x80, v3, vm0, $0xb8;
	[tilespmem:$0x13000] =	vst v63  }
0x4f: {  	v3 =	vld [tilespmem:s11+$0x0];
	_ =	sdelay $0x4  }
0x50: {  	v42 =	vshll.u32 v3, $0x3  }
0x51: {  	v3 =	vand.u32 $0x7, v3;
	v4 =	vand.u32 $0xFFFFFFC0, v42  }
0x52: {  	v3 =	vor.u32 v3, v4  }
0x53: {  	v4 =	vperm.xlane v3, v0;
	_ =	sdelay $0x1  }
0x54: {  	v4 =	vadd.s32 v1, v4;
	_ =	sdelay $0x4  }
0x55: {  	[tilespmem:s9], [sflag:$0x2] =	stream.indirect_vreg.gather [hbm4b:s1+s3], $0x80, v4, vm0, $0xb8;
	[tilespmem:$0x13000] =	vst v63  }
0x56: {  	s26 =	simm.s32 $0xB800;
	v3 =	vperm.xlane v3, v2  }
0x57: {  	[tilespmem:s26], [sflag:$0x2] =	stream.indirect_vreg.gather [hbm4b:s16+s3], $0x80, v4, vm0, $0xb8;
	[tilespmem:$0x13000] =	vst v63  }
0x58: {  	s13 =	simm.s32 $0xC000;
	v3 =	vadd.s32 v1, v3  }
0x59: {  	[tilespmem:s13], [sflag:$0x2] =	stream.indirect_vreg.gather [hbm4b:s17+s3], $0x80, v4, vm0, $0xb8;
	[tilespmem:$0x13000] =	vst v63  }
0x5a: {  	s14 =	simm.s32 $0xC800  }
0x5b: {  	[tilespmem:s14], [sflag:$0x2] =	stream.indirect_vreg.gather [hbm4b:s18+s3], $0x80, v4, vm0, $0xb8;
	[tilespmem:$0x13000] =	vst v63  }
0x5c: {  	s15 =	simm.s32 $0xD000  }
0x5d: {  	[tilespmem:s15], [sflag:$0x2] =	stream.indirect_vreg.gather [hbm4b:s1+s3], $0x80, v3, vm0, $0xb8;
	[tilespmem:$0x13000] =	vst v63  }
0x5e: {  	s23 =	simm.s32 $0xD800  }
0x5f: {  	[tilespmem:s23], [sflag:$0x2] =	stream.indirect_vreg.gather [hbm4b:s16+s3], $0x80, v3, vm0, $0xb8;
	[tilespmem:$0x13000] =	vst v63  }
0x60: {  	s24 =	simm.s32 $0xE000  }
0x61: {  	[tilespmem:s24], [sflag:$0x2] =	stream.indirect_vreg.gather [hbm4b:s17+s3], $0x80, v3, vm0, $0xb8;
	[tilespmem:$0x13000] =	vst v63  }
0x62: {  	s4 =	simm.s32 $0xE800  }
0x63: {  	[tilespmem:s4], [sflag:$0x2] =	stream.indirect_vreg.gather [hbm4b:s18+s3], $0x80, v3, vm0, $0xb8;
	[tilespmem:$0x13000] =	vst v63  }
0x64: {  	v3 =	vld [tilespmem:s11+$0x10];
	_ =	sdelay $0x4  }
0x65: {  	v43 =	vshll.u32 v3, $0x3  }
0x66: {  	v3 =	vand.u32 $0x7, v3;
	v4 =	vand.u32 $0xFFFFFFC0, v43  }
0x67: {  	v3 =	vor.u32 v3, v4  }
0x68: {  	v4 =	vperm.xlane v3, v0;
	_ =	sdelay $0x1  }
0x69: {  	v4 =	vadd.s32 v1, v4;
	_ =	sdelay $0x3  }
0x6a: {  	s10 =	simm.s32 $0xF000  }
0x6b: {  	[tilespmem:s10], [sflag:$0x2] =	stream.indirect_vreg.gather [hbm4b:s1+s3], $0x80, v4, vm0, $0xb8;
	[tilespmem:$0x13000] =	vst v63  }
0x6c: {  	s11 =	simm.s32 $0xF800;
	v3 =	vperm.xlane v3, v2  }
0x6d: {  	[tilespmem:s11], [sflag:$0x2] =	stream.indirect_vreg.gather [hbm4b:s16+s3], $0x80, v4, vm0, $0xb8;
	[tilespmem:$0x13000] =	vst v63  }
0x6e: {  	s14 =	simm.s32 $0x10000;
	v3 =	vadd.s32 v1, v3  }
0x6f: {  	[tilespmem:s14], [sflag:$0x2] =	stream.indirect_vreg.gather [hbm4b:s17+s3], $0x80, v4, vm0, $0xb8;
	[tilespmem:$0x13000] =	vst v63  }
0x70: {  	s15 =	simm.s32 $0x10800  }
0x71: {  	[tilespmem:s15], [sflag:$0x2] =	stream.indirect_vreg.gather [hbm4b:s18+s3], $0x80, v4, vm0, $0xb8;
	[tilespmem:$0x13000] =	vst v63  }
0x72: {  	s23 =	simm.s32 $0x11000  }
0x73: {  	[tilespmem:s23], [sflag:$0x2] =	stream.indirect_vreg.gather [hbm4b:s1+s3], $0x80, v3, vm0, $0xb8;
	[tilespmem:$0x13000] =	vst v63  }
0x74: {  	s26 =	simm.s32 $0x11800  }
0x75: {  	[tilespmem:s26], [sflag:$0x2] =	stream.indirect_vreg.gather [hbm4b:s16+s3], $0x80, v3, vm0, $0xb8;
	[tilespmem:$0x13000] =	vst v63  }
0x76: {  	s4 =	simm.s32 $0x12000  }
0x77: {  	[tilespmem:s4], [sflag:$0x2] =	stream.indirect_vreg.gather [hbm4b:s17+s3], $0x80, v3, vm0, $0xb8;
	[tilespmem:$0x13000] =	vst v63  }
0x78: {  	s11 =	simm.s32 $0x12800  }
0x79: {  	[tilespmem:s11], [sflag:$0x2] =	stream.indirect_vreg.gather [hbm4b:s18+s3], $0x80, v3, vm0, $0xb8;
	[tilespmem:$0x13000] =	vst v63  }
0x7a: {  	_ =	swait.ge [sflag:s31], $0x8000  }
0x7b: {  	[sflag:s31] =	ssyncset.done $0x0  }
0x7c: {  	s26 =	rddreg [dreg:$0x5];
	[sflag:s31] =	ssyncadd.s32 $0xFFFF8000  }
0x7d: {  	[hbm4b:s26+s3] =	stream.linear.scatter [tilespmem:s12], [sflag:$0x3], $0x8000, $0x38;
	[tilespmem:$0x13000] =	vst v63  }
0x7e: {  	_ =	swait.ge [sflag:s20], $0x8000  }
0x7f: {  	[sflag:s20] =	ssyncset.done $0x0  }
0x80: {  	s4 =	rddreg [dreg:$0x13];
	[sflag:s20] =	ssyncadd.s32 $0xFFFF8000  }
0x81: {  	v3 =	vld [tilespmem:s4+$0x0];
	_ =	sdelay $0x4  }
0x82: {  	v44 =	vshll.u32 v3, $0x3  }
0x83: {  	v3 =	vand.u32 $0x7, v3;
	v4 =	vand.u32 $0xFFFFFFC0, v44  }
0x84: {  	v3 =	vor.u32 v3, v4  }
0x85: {  	v4 =	vperm.xlane v3, v0;
	_ =	sdelay $0x1  }
0x86: {  	v4 =	vadd.s32 v1, v4;
	_ =	sdelay $0x4  }
0x87: {  	[tilespmem:s12], [sflag:$0x1] =	stream.indirect_vreg.gather [hbm4b:s1+s3], $0x80, v4, vm0, $0xb8;
	[tilespmem:$0x13000] =	vst v63  }
0x88: {  	s30 =	simm.s32 $0x3800;
	v3 =	vperm.xlane v3, v2  }
0x89: {  	[tilespmem:s30], [sflag:$0x1] =	stream.indirect_vreg.gather [hbm4b:s16+s3], $0x80, v4, vm0, $0xb8;
	[tilespmem:$0x13000] =	vst v63  }
0x8a: {  	s22 =	simm.s32 $0x4000;
	v3 =	vadd.s32 v1, v3  }
0x8b: {  	[tilespmem:s22], [sflag:$0x1] =	stream.indirect_vreg.gather [hbm4b:s17+s3], $0x80, v4, vm0, $0xb8;
	[tilespmem:$0x13000] =	vst v63  }
0x8c: {  	s5 =	simm.s32 $0x4800  }
0x8d: {  	[tilespmem:s5], [sflag:$0x1] =	stream.indirect_vreg.gather [hbm4b:s18+s3], $0x80, v4, vm0, $0xb8;
	[tilespmem:$0x13000] =	vst v63  }
0x8e: {  	s6 =	simm.s32 $0x5000  }
0x8f: {  	[tilespmem:s6], [sflag:$0x1] =	stream.indirect_vreg.gather [hbm4b:s1+s3], $0x80, v3, vm0, $0xb8;
	[tilespmem:$0x13000] =	vst v63  }
0x90: {  	s7 =	simm.s32 $0x5800  }
0x91: {  	[tilespmem:s7], [sflag:$0x1] =	stream.indirect_vreg.gather [hbm4b:s16+s3], $0x80, v3, vm0, $0xb8;
	[tilespmem:$0x13000] =	vst v63  }
0x92: {  	s8 =	simm.s32 $0x6000  }
0x93: {  	[tilespmem:s8], [sflag:$0x1] =	stream.indirect_vreg.gather [hbm4b:s17+s3], $0x80, v3, vm0, $0xb8;
	[tilespmem:$0x13000] =	vst v63  }
0x94: {  	s21 =	simm.s32 $0x6800  }
0x95: {  	[tilespmem:s21], [sflag:$0x1] =	stream.indirect_vreg.gather [hbm4b:s18+s3], $0x80, v3, vm0, $0xb8;
	[tilespmem:$0x13000] =	vst v63  }
0x96: {  	v3 =	vld [tilespmem:s4+$0x10];
	_ =	sdelay $0x4  }
0x97: {  	v45 =	vshll.u32 v3, $0x3  }
0x98: {  	v3 =	vand.u32 $0x7, v3;
	v4 =	vand.u32 $0xFFFFFFC0, v45  }
0x99: {  	v3 =	vor.u32 v3, v4  }
0x9a: {  	v4 =	vperm.xlane v3, v0;
	_ =	sdelay $0x1  }
0x9b: {  	v4 =	vadd.s32 v1, v4;
	_ =	sdelay $0x3  }
0x9c: {  	s28 =	simm.s32 $0x7000  }
0x9d: {  	[tilespmem:s28], [sflag:$0x1] =	stream.indirect_vreg.gather [hbm4b:s1+s3], $0x80, v4, vm0, $0xb8;
	[tilespmem:$0x13000] =	vst v63  }
0x9e: {  	s29 =	simm.s32 $0x7800;
	v3 =	vperm.xlane v3, v2  }
0x9f: {  	[tilespmem:s29], [sflag:$0x1] =	stream.indirect_vreg.gather [hbm4b:s16+s3], $0x80, v4, vm0, $0xb8;
	[tilespmem:$0x13000] =	vst v63  }
0xa0: {  	s22 =	simm.s32 $0x8000;
	v3 =	vadd.s32 v1, v3  }
0xa1: {  	[tilespmem:s22], [sflag:$0x1] =	stream.indirect_vreg.gather [hbm4b:s17+s3], $0x80, v4, vm0, $0xb8;
	[tilespmem:$0x13000] =	vst v63  }
0xa2: {  	s25 =	simm.s32 $0x8800  }
0xa3: {  	[tilespmem:s25], [sflag:$0x1] =	stream.indirect_vreg.gather [hbm4b:s18+s3], $0x80, v4, vm0, $0xb8;
	[tilespmem:$0x13000] =	vst v63  }
0xa4: {  	s25 =	simm.s32 $0x9000  }
0xa5: {  	[tilespmem:s25], [sflag:$0x1] =	stream.indirect_vreg.gather [hbm4b:s1+s3], $0x80, v3, vm0, $0xb8;
	[tilespmem:$0x13000] =	vst v63  }
0xa6: {  	s28 =	simm.s32 $0x9800  }
0xa7: {  	[tilespmem:s28], [sflag:$0x1] =	stream.indirect_vreg.gather [hbm4b:s16+s3], $0x80, v3, vm0, $0xb8;
	[tilespmem:$0x13000] =	vst v63  }
0xa8: {  	s29 =	simm.s32 $0xA000  }
0xa9: {  	[tilespmem:s29], [sflag:$0x1] =	stream.indirect_vreg.gather [hbm4b:s17+s3], $0x80, v3, vm0, $0xb8;
	[tilespmem:$0x13000] =	vst v63  }
0xaa: {  	s30 =	simm.s32 $0xA800  }
0xab: {  	[tilespmem:s30], [sflag:$0x1] =	stream.indirect_vreg.gather [hbm4b:s18+s3], $0x80, v3, vm0, $0xb8;
	[tilespmem:$0x13000] =	vst v63  }
0xac: {  	_ =	swait.ge [sflag:s0], $0x8000  }
0xad: {  	[sflag:s0] =	ssyncset.done $0x0  }
0xae: {  	s8 =	rddreg [dreg:$0x6];
	[sflag:s0] =	ssyncadd.s32 $0xFFFF8000  }
0xaf: {  	[hbm4b:s8+s3] =	stream.linear.scatter [tilespmem:s9], [sflag:$0x3], $0x8000, $0x38;
	[tilespmem:$0x13000] =	vst v63  }
0xb0: {  	_ =	swait.ge [sflag:s20], $0x8000  }
0xb1: {  	[sflag:s20] =	ssyncset.done $0x0  }
0xb2: {  	s2 =	rddreg [dreg:$0x14];
	[sflag:s20] =	ssyncadd.s32 $0xFFFF8000  }
0xb3: {  	v3 =	vld [tilespmem:s2+$0x0];
	_ =	sdelay $0x4  }
0xb4: {  	v46 =	vshll.u32 v3, $0x3  }
0xb5: {  	v3 =	vand.u32 $0x7, v3;
	v4 =	vand.u32 $0xFFFFFFC0, v46  }
0xb6: {  	v3 =	vor.u32 v3, v4  }
0xb7: {  	v4 =	vperm.xlane v3, v0;
	_ =	sdelay $0x1  }
0xb8: {  	v4 =	vadd.s32 v1, v4;
	_ =	sdelay $0x4  }
0xb9: {  	[tilespmem:s9], [sflag:$0x2] =	stream.indirect_vreg.gather [hbm4b:s1+s3], $0x80, v4, vm0, $0xb8;
	[tilespmem:$0x13000] =	vst v63  }
0xba: {  	s21 =	simm.s32 $0xB800;
	v3 =	vperm.xlane v3, v2  }
0xbb: {  	[tilespmem:s21], [sflag:$0x2] =	stream.indirect_vreg.gather [hbm4b:s16+s3], $0x80, v4, vm0, $0xb8;
	[tilespmem:$0x13000] =	vst v63  }
0xbc: {  	s6 =	simm.s32 $0xC000;
	v3 =	vadd.s32 v1, v3  }
0xbd: {  	[tilespmem:s6], [sflag:$0x2] =	stream.indirect_vreg.gather [hbm4b:s17+s3], $0x80, v4, vm0, $0xb8;
	[tilespmem:$0x13000] =	vst v63  }
0xbe: {  	s7 =	simm.s32 $0xC800  }
0xbf: {  	[tilespmem:s7], [sflag:$0x2] =	stream.indirect_vreg.gather [hbm4b:s18+s3], $0x80, v4, vm0, $0xb8;
	[tilespmem:$0x13000] =	vst v63  }
0xc0: {  	s8 =	simm.s32 $0xD000  }
0xc1: {  	[tilespmem:s8], [sflag:$0x2] =	stream.indirect_vreg.gather [hbm4b:s1+s3], $0x80, v3, vm0, $0xb8;
	[tilespmem:$0x13000] =	vst v63  }
0xc2: {  	s4 =	simm.s32 $0xD800  }
0xc3: {  	[tilespmem:s4], [sflag:$0x2] =	stream.indirect_vreg.gather [hbm4b:s16+s3], $0x80, v3, vm0, $0xb8;
	[tilespmem:$0x13000] =	vst v63  }
0xc4: {  	s5 =	simm.s32 $0xE000  }
0xc5: {  	[tilespmem:s5], [sflag:$0x2] =	stream.indirect_vreg.gather [hbm4b:s17+s3], $0x80, v3, vm0, $0xb8;
	[tilespmem:$0x13000] =	vst v63  }
0xc6: {  	s24 =	simm.s32 $0xE800  }
0xc7: {  	[tilespmem:s24], [sflag:$0x2] =	stream.indirect_vreg.gather [hbm4b:s18+s3], $0x80, v3, vm0, $0xb8;
	[tilespmem:$0x13000] =	vst v63  }
0xc8: {  	v3 =	vld [tilespmem:s2+$0x10];
	_ =	sdelay $0x4  }
0xc9: {  	v47 =	vshll.u32 v3, $0x3  }
0xca: {  	v3 =	vand.u32 $0x7, v3;
	v4 =	vand.u32 $0xFFFFFFC0, v47  }
0xcb: {  	v3 =	vor.u32 v3, v4  }
0xcc: {  	v4 =	vperm.xlane v3, v0;
	_ =	sdelay $0x1  }
0xcd: {  	v4 =	vadd.s32 v1, v4;
	_ =	sdelay $0x3  }
0xce: {  	s13 =	simm.s32 $0xF000  }
0xcf: {  	[tilespmem:s13], [sflag:$0x2] =	stream.indirect_vreg.gather [hbm4b:s1+s3], $0x80, v4, vm0, $0xb8;
	[tilespmem:$0x13000] =	vst v63  }
0xd0: {  	s10 =	simm.s32 $0xF800;
	v3 =	vperm.xlane v3, v2  }
0xd1: {  	[tilespmem:s10], [sflag:$0x2] =	stream.indirect_vreg.gather [hbm4b:s16+s3], $0x80, v4, vm0, $0xb8;
	[tilespmem:$0x13000] =	vst v63  }
0xd2: {  	s14 =	simm.s32 $0x10000;
	v3 =	vadd.s32 v1, v3  }
0xd3: {  	[tilespmem:s14], [sflag:$0x2] =	stream.indirect_vreg.gather [hbm4b:s17+s3], $0x80, v4, vm0, $0xb8;
	[tilespmem:$0x13000] =	vst v63  }
0xd4: {  	s15 =	simm.s32 $0x10800  }
0xd5: {  	[tilespmem:s15], [sflag:$0x2] =	stream.indirect_vreg.gather [hbm4b:s18+s3], $0x80, v4, vm0, $0xb8;
	[tilespmem:$0x13000] =	vst v63  }
0xd6: {  	s23 =	simm.s32 $0x11000  }
0xd7: {  	[tilespmem:s23], [sflag:$0x2] =	stream.indirect_vreg.gather [hbm4b:s1+s3], $0x80, v3, vm0, $0xb8;
	[tilespmem:$0x13000] =	vst v63  }
0xd8: {  	s15 =	simm.s32 $0x11800  }
0xd9: {  	[tilespmem:s15], [sflag:$0x2] =	stream.indirect_vreg.gather [hbm4b:s16+s3], $0x80, v3, vm0, $0xb8;
	[tilespmem:$0x13000] =	vst v63  }
0xda: {  	s23 =	simm.s32 $0x12000  }
0xdb: {  	[tilespmem:s23], [sflag:$0x2] =	stream.indirect_vreg.gather [hbm4b:s17+s3], $0x80, v3, vm0, $0xb8;
	[tilespmem:$0x13000] =	vst v63  }
0xdc: {  	s11 =	simm.s32 $0x12800  }
0xdd: {  	[tilespmem:s11], [sflag:$0x2] =	stream.indirect_vreg.gather [hbm4b:s18+s3], $0x80, v3, vm0, $0xb8;
	[tilespmem:$0x13000] =	vst v63  }
0xde: {  	_ =	swait.ge [sflag:s31], $0x8000  }
0xdf: {  	[sflag:s31] =	ssyncset.done $0x0  }
0xe0: {  	s10 =	rddreg [dreg:$0x7];
	[sflag:s31] =	ssyncadd.s32 $0xFFFF8000  }
0xe1: {  	[hbm4b:s10+s3] =	stream.linear.scatter [tilespmem:s12], [sflag:$0x3], $0x8000, $0x38;
	[tilespmem:$0x13000] =	vst v63  }
0xe2: {  	_ =	swait.ge [sflag:s20], $0x8000  }
0xe3: {  	[sflag:s20] =	ssyncset.done $0x0  }
0xe4: {  	s2 =	rddreg [dreg:$0x15];
	[sflag:s20] =	ssyncadd.s32 $0xFFFF8000  }
0xe5: {  	v3 =	vld [tilespmem:s2+$0x0];
	_ =	sdelay $0x4  }
0xe6: {  	v48 =	vshll.u32 v3, $0x3  }
0xe7: {  	v3 =	vand.u32 $0x7, v3;
	v4 =	vand.u32 $0xFFFFFFC0, v48  }
0xe8: {  	v3 =	vor.u32 v3, v4  }
0xe9: {  	v4 =	vperm.xlane v3, v0;
	_ =	sdelay $0x1  }
0xea: {  	v4 =	vadd.s32 v1, v4;
	_ =	sdelay $0x4  }
0xeb: {  	[tilespmem:s12], [sflag:$0x1] =	stream.indirect_vreg.gather [hbm4b:s1+s3], $0x80, v4, vm0, $0xb8;
	[tilespmem:$0x13000] =	vst v63  }
0xec: {  	s10 =	simm.s32 $0x3800;
	v3 =	vperm.xlane v3, v2  }
0xed: {  	[tilespmem:s10], [sflag:$0x1] =	stream.indirect_vreg.gather [hbm4b:s16+s3], $0x80, v4, vm0, $0xb8;
	[tilespmem:$0x13000] =	vst v63  }
0xee: {  	v3 =	vadd.s32 v1, v3;
	s10 =	simm.s32 $0x4000  }
0xef: {  	[tilespmem:s10], [sflag:$0x1] =	stream.indirect_vreg.gather [hbm4b:s17+s3], $0x80, v4, vm0, $0xb8;
	[tilespmem:$0x13000] =	vst v63  }
0xf0: {  	s26 =	simm.s32 $0x4800  }
0xf1: {  	[tilespmem:s26], [sflag:$0x1] =	stream.indirect_vreg.gather [hbm4b:s18+s3], $0x80, v4, vm0, $0xb8;
	[tilespmem:$0x13000] =	vst v63  }
0xf2: {  	s10 =	simm.s32 $0x5000  }
0xf3: {  	[tilespmem:s10], [sflag:$0x1] =	stream.indirect_vreg.gather [hbm4b:s1+s3], $0x80, v3, vm0, $0xb8;
	[tilespmem:$0x13000] =	vst v63  }
0xf4: {  	s10 =	simm.s32 $0x5800  }
0xf5: {  	[tilespmem:s10], [sflag:$0x1] =	stream.indirect_vreg.gather [hbm4b:s16+s3], $0x80, v3, vm0, $0xb8;
	[tilespmem:$0x13000] =	vst v63  }
0xf6: {  	s10 =	simm.s32 $0x6000  }
0xf7: {  	[tilespmem:s10], [sflag:$0x1] =	stream.indirect_vreg.gather [hbm4b:s17+s3], $0x80, v3, vm0, $0xb8;
	[tilespmem:$0x13000] =	vst v63  }
0xf8: {  	s10 =	simm.s32 $0x6800  }
0xf9: {  	[tilespmem:s10], [sflag:$0x1] =	stream.indirect_vreg.gather [hbm4b:s18+s3], $0x80, v3, vm0, $0xb8;
	[tilespmem:$0x13000] =	vst v63  }
0xfa: {  	v3 =	vld [tilespmem:s2+$0x10];
	_ =	sdelay $0x4  }
0xfb: {  	v49 =	vshll.u32 v3, $0x3  }
0xfc: {  	v3 =	vand.u32 $0x7, v3;
	v4 =	vand.u32 $0xFFFFFFC0, v49  }
0xfd: {  	v3 =	vor.u32 v3, v4  }
0xfe: {  	v4 =	vperm.xlane v3, v0;
	_ =	sdelay $0x1  }
0xff: {  	v4 =	vadd.s32 v1, v4;
	_ =	sdelay $0x3  }
0x100: {  	s26 =	simm.s32 $0x7000  }
0x101: {  	[tilespmem:s26], [sflag:$0x1] =	stream.indirect_vreg.gather [hbm4b:s1+s3], $0x80, v4, vm0, $0xb8;
	[tilespmem:$0x13000] =	vst v63  }
0x102: {  	s10 =	simm.s32 $0x7800;
	v3 =	vperm.xlane v3, v2  }
0x103: {  	[tilespmem:s10], [sflag:$0x1] =	stream.indirect_vreg.gather [hbm4b:s16+s3], $0x80, v4, vm0, $0xb8;
	[tilespmem:$0x13000] =	vst v63  }
0x104: {  	v3 =	vadd.s32 v1, v3  }
0x105: {  	[tilespmem:s22], [sflag:$0x1] =	stream.indirect_vreg.gather [hbm4b:s17+s3], $0x80, v4, vm0, $0xb8;
	[tilespmem:$0x13000] =	vst v63  }
0x106: {  	s26 =	simm.s32 $0x8800  }
0x107: {  	[tilespmem:s26], [sflag:$0x1] =	stream.indirect_vreg.gather [hbm4b:s18+s3], $0x80, v4, vm0, $0xb8;
	[tilespmem:$0x13000] =	vst v63  }
0x108: {  	_ = 	snop  }
0x109: {  	[tilespmem:s25], [sflag:$0x1] =	stream.indirect_vreg.gather [hbm4b:s1+s3], $0x80, v3, vm0, $0xb8;
	[tilespmem:$0x13000] =	vst v63  }
0x10a: {  	_ = 	snop  }
0x10b: {  	[tilespmem:s28], [sflag:$0x1] =	stream.indirect_vreg.gather [hbm4b:s16+s3], $0x80, v3, vm0, $0xb8;
	[tilespmem:$0x13000] =	vst v63  }
0x10c: {  	_ = 	snop  }
0x10d: {  	[tilespmem:s29], [sflag:$0x1] =	stream.indirect_vreg.gather [hbm4b:s17+s3], $0x80, v3, vm0, $0xb8;
	[tilespmem:$0x13000] =	vst v63  }
0x10e: {  	_ = 	snop  }
0x10f: {  	[tilespmem:s30], [sflag:$0x1] =	stream.indirect_vreg.gather [hbm4b:s18+s3], $0x80, v3, vm0, $0xb8;
	[tilespmem:$0x13000] =	vst v63  }
0x110: {  	_ =	swait.ge [sflag:s0], $0x8000  }
0x111: {  	[sflag:s0] =	ssyncset.done $0x0  }
0x112: {  	s30 =	rddreg [dreg:$0x8];
	[sflag:s0] =	ssyncadd.s32 $0xFFFF8000  }
0x113: {  	[hbm4b:s30+s3] =	stream.linear.scatter [tilespmem:s9], [sflag:$0x3], $0x8000, $0x38;
	[tilespmem:$0x13000] =	vst v63  }
0x114: {  	_ =	swait.ge [sflag:s20], $0x8000  }
0x115: {  	[sflag:s20] =	ssyncset.done $0x0  }
0x116: {  	s2 =	rddreg [dreg:$0x16];
	[sflag:s20] =	ssyncadd.s32 $0xFFFF8000  }
0x117: {  	v3 =	vld [tilespmem:s2+$0x0];
	_ =	sdelay $0x4  }
0x118: {  	v50 =	vshll.u32 v3, $0x3  }
0x119: {  	v3 =	vand.u32 $0x7, v3;
	v4 =	vand.u32 $0xFFFFFFC0, v50  }
0x11a: {  	v3 =	vor.u32 v3, v4  }
0x11b: {  	v4 =	vperm.xlane v3, v0;
	_ =	sdelay $0x1  }
0x11c: {  	v4 =	vadd.s32 v1, v4;
	_ =	sdelay $0x4  }
0x11d: {  	[tilespmem:s9], [sflag:$0x2] =	stream.indirect_vreg.gather [hbm4b:s1+s3], $0x80, v4, vm0, $0xb8;
	[tilespmem:$0x13000] =	vst v63  }
0x11e: {  	v3 =	vperm.xlane v3, v2  }
0x11f: {  	[tilespmem:s21], [sflag:$0x2] =	stream.indirect_vreg.gather [hbm4b:s16+s3], $0x80, v4, vm0, $0xb8;
	[tilespmem:$0x13000] =	vst v63  }
0x120: {  	v3 =	vadd.s32 v1, v3  }
0x121: {  	[tilespmem:s6], [sflag:$0x2] =	stream.indirect_vreg.gather [hbm4b:s17+s3], $0x80, v4, vm0, $0xb8;
	[tilespmem:$0x13000] =	vst v63  }
0x122: {  	_ = 	snop  }
0x123: {  	[tilespmem:s7], [sflag:$0x2] =	stream.indirect_vreg.gather [hbm4b:s18+s3], $0x80, v4, vm0, $0xb8;
	[tilespmem:$0x13000] =	vst v63  }
0x124: {  	_ = 	snop  }
0x125: {  	[tilespmem:s8], [sflag:$0x2] =	stream.indirect_vreg.gather [hbm4b:s1+s3], $0x80, v3, vm0, $0xb8;
	[tilespmem:$0x13000] =	vst v63  }
0x126: {  	_ = 	snop  }
0x127: {  	[tilespmem:s4], [sflag:$0x2] =	stream.indirect_vreg.gather [hbm4b:s16+s3], $0x80, v3, vm0, $0xb8;
	[tilespmem:$0x13000] =	vst v63  }
0x128: {  	_ = 	snop  }
0x129: {  	[tilespmem:s5], [sflag:$0x2] =	stream.indirect_vreg.gather [hbm4b:s17+s3], $0x80, v3, vm0, $0xb8;
	[tilespmem:$0x13000] =	vst v63  }
0x12a: {  	s10 =	simm.s32 $0xE800  }
0x12b: {  	[tilespmem:s10], [sflag:$0x2] =	stream.indirect_vreg.gather [hbm4b:s18+s3], $0x80, v3, vm0, $0xb8;
	[tilespmem:$0x13000] =	vst v63  }
0x12c: {  	v3 =	vld [tilespmem:s2+$0x10];
	_ =	sdelay $0x4  }
0x12d: {  	v51 =	vshll.u32 v3, $0x3  }
0x12e: {  	v3 =	vand.u32 $0x7, v3;
	v4 =	vand.u32 $0xFFFFFFC0, v51  }
0x12f: {  	v3 =	vor.u32 v3, v4  }
0x130: {  	v4 =	vperm.xlane v3, v0;
	_ =	sdelay $0x1  }
0x131: {  	v4 =	vadd.s32 v1, v4;
	_ =	sdelay $0x3  }
0x132: {  	s4 =	simm.s32 $0xF000  }
0x133: {  	[tilespmem:s4], [sflag:$0x2] =	stream.indirect_vreg.gather [hbm4b:s1+s3], $0x80, v4, vm0, $0xb8;
	[tilespmem:$0x13000] =	vst v63  }
0x134: {  	s24 =	simm.s32 $0xF800;
	v3 =	vperm.xlane v3, v2  }
0x135: {  	[tilespmem:s24], [sflag:$0x2] =	stream.indirect_vreg.gather [hbm4b:s16+s3], $0x80, v4, vm0, $0xb8;
	[tilespmem:$0x13000] =	vst v63  }
0x136: {  	s10 =	simm.s32 $0x10000;
	v3 =	vadd.s32 v1, v3  }
0x137: {  	[tilespmem:s10], [sflag:$0x2] =	stream.indirect_vreg.gather [hbm4b:s17+s3], $0x80, v4, vm0, $0xb8;
	[tilespmem:$0x13000] =	vst v63  }
0x138: {  	s13 =	simm.s32 $0x10800  }
0x139: {  	[tilespmem:s13], [sflag:$0x2] =	stream.indirect_vreg.gather [hbm4b:s18+s3], $0x80, v4, vm0, $0xb8;
	[tilespmem:$0x13000] =	vst v63  }
0x13a: {  	s14 =	simm.s32 $0x11000  }
0x13b: {  	[tilespmem:s14], [sflag:$0x2] =	stream.indirect_vreg.gather [hbm4b:s1+s3], $0x80, v3, vm0, $0xb8;
	[tilespmem:$0x13000] =	vst v63  }
0x13c: {  	s15 =	simm.s32 $0x11800  }
0x13d: {  	[tilespmem:s15], [sflag:$0x2] =	stream.indirect_vreg.gather [hbm4b:s16+s3], $0x80, v3, vm0, $0xb8;
	[tilespmem:$0x13000] =	vst v63  }
0x13e: {  	s23 =	simm.s32 $0x12000  }
0x13f: {  	[tilespmem:s23], [sflag:$0x2] =	stream.indirect_vreg.gather [hbm4b:s17+s3], $0x80, v3, vm0, $0xb8;
	[tilespmem:$0x13000] =	vst v63  }
0x140: {  	s11 =	simm.s32 $0x12800  }
0x141: {  	[tilespmem:s11], [sflag:$0x2] =	stream.indirect_vreg.gather [hbm4b:s18+s3], $0x80, v3, vm0, $0xb8;
	[tilespmem:$0x13000] =	vst v63  }
0x142: {  	_ =	swait.ge [sflag:s31], $0x8000  }
0x143: {  	[sflag:s31] =	ssyncset.done $0x0  }
0x144: {  	s4 =	rddreg [dreg:$0x9];
	[sflag:s31] =	ssyncadd.s32 $0xFFFF8000  }
0x145: {  	[hbm4b:s4+s3] =	stream.linear.scatter [tilespmem:s12], [sflag:$0x3], $0x8000, $0x38;
	[tilespmem:$0x13000] =	vst v63  }
0x146: {  	_ =	swait.ge [sflag:s20], $0x8000  }
0x147: {  	[sflag:s20] =	ssyncset.done $0x0  }
0x148: {  	s2 =	rddreg [dreg:$0x17];
	[sflag:s20] =	ssyncadd.s32 $0xFFFF8000  }
0x149: {  	v3 =	vld [tilespmem:s2+$0x0];
	_ =	sdelay $0x4  }
0x14a: {  	v52 =	vshll.u32 v3, $0x3  }
0x14b: {  	v3 =	vand.u32 $0x7, v3;
	v4 =	vand.u32 $0xFFFFFFC0, v52  }
0x14c: {  	v3 =	vor.u32 v3, v4  }
0x14d: {  	v4 =	vperm.xlane v3, v0;
	_ =	sdelay $0x1  }
0x14e: {  	v4 =	vadd.s32 v1, v4;
	_ =	sdelay $0x4  }
0x14f: {  	[tilespmem:s12], [sflag:$0x1] =	stream.indirect_vreg.gather [hbm4b:s1+s3], $0x80, v4, vm0, $0xb8;
	[tilespmem:$0x13000] =	vst v63  }
0x150: {  	s4 =	simm.s32 $0x3800;
	v3 =	vperm.xlane v3, v2  }
0x151: {  	[tilespmem:s4], [sflag:$0x1] =	stream.indirect_vreg.gather [hbm4b:s16+s3], $0x80, v4, vm0, $0xb8;
	[tilespmem:$0x13000] =	vst v63  }
0x152: {  	v3 =	vadd.s32 v1, v3;
	s4 =	simm.s32 $0x4000  }
0x153: {  	[tilespmem:s4], [sflag:$0x1] =	stream.indirect_vreg.gather [hbm4b:s17+s3], $0x80, v4, vm0, $0xb8;
	[tilespmem:$0x13000] =	vst v63  }
0x154: {  	s4 =	simm.s32 $0x4800  }
0x155: {  	[tilespmem:s4], [sflag:$0x1] =	stream.indirect_vreg.gather [hbm4b:s18+s3], $0x80, v4, vm0, $0xb8;
	[tilespmem:$0x13000] =	vst v63  }
0x156: {  	s4 =	simm.s32 $0x5000  }
0x157: {  	[tilespmem:s4], [sflag:$0x1] =	stream.indirect_vreg.gather [hbm4b:s1+s3], $0x80, v3, vm0, $0xb8;
	[tilespmem:$0x13000] =	vst v63  }
0x158: {  	s4 =	simm.s32 $0x5800  }
0x159: {  	[tilespmem:s4], [sflag:$0x1] =	stream.indirect_vreg.gather [hbm4b:s16+s3], $0x80, v3, vm0, $0xb8;
	[tilespmem:$0x13000] =	vst v63  }
0x15a: {  	s4 =	simm.s32 $0x6000  }
0x15b: {  	[tilespmem:s4], [sflag:$0x1] =	stream.indirect_vreg.gather [hbm4b:s17+s3], $0x80, v3, vm0, $0xb8;
	[tilespmem:$0x13000] =	vst v63  }
0x15c: {  	s4 =	simm.s32 $0x6800  }
0x15d: {  	[tilespmem:s4], [sflag:$0x1] =	stream.indirect_vreg.gather [hbm4b:s18+s3], $0x80, v3, vm0, $0xb8;
	[tilespmem:$0x13000] =	vst v63  }
0x15e: {  	v3 =	vld [tilespmem:s2+$0x10];
	_ =	sdelay $0x4  }
0x15f: {  	v53 =	vshll.u32 v3, $0x3  }
0x160: {  	v3 =	vand.u32 $0x7, v3;
	v4 =	vand.u32 $0xFFFFFFC0, v53  }
0x161: {  	v3 =	vor.u32 v3, v4  }
0x162: {  	v4 =	vperm.xlane v3, v0;
	_ =	sdelay $0x1  }
0x163: {  	v4 =	vadd.s32 v1, v4;
	_ =	sdelay $0x3  }
0x164: {  	s4 =	simm.s32 $0x7000  }
0x165: {  	[tilespmem:s4], [sflag:$0x1] =	stream.indirect_vreg.gather [hbm4b:s1+s3], $0x80, v4, vm0, $0xb8;
	[tilespmem:$0x13000] =	vst v63  }
0x166: {  	v3 =	vperm.xlane v3, v2;
	s4 =	simm.s32 $0x7800  }
0x167: {  	[tilespmem:s4], [sflag:$0x1] =	stream.indirect_vreg.gather [hbm4b:s16+s3], $0x80, v4, vm0, $0xb8;
	[tilespmem:$0x13000] =	vst v63  }
0x168: {  	s22 =	simm.s32 $0x8000;
	v3 =	vadd.s32 v1, v3  }
0x169: {  	[tilespmem:s22], [sflag:$0x1] =	stream.indirect_vreg.gather [hbm4b:s17+s3], $0x80, v4, vm0, $0xb8;
	[tilespmem:$0x13000] =	vst v63  }
0x16a: {  	s4 =	simm.s32 $0x8800  }
0x16b: {  	[tilespmem:s4], [sflag:$0x1] =	stream.indirect_vreg.gather [hbm4b:s18+s3], $0x80, v4, vm0, $0xb8;
	[tilespmem:$0x13000] =	vst v63  }
0x16c: {  	s25 =	simm.s32 $0x9000  }
0x16d: {  	[tilespmem:s25], [sflag:$0x1] =	stream.indirect_vreg.gather [hbm4b:s1+s3], $0x80, v3, vm0, $0xb8;
	[tilespmem:$0x13000] =	vst v63  }
0x16e: {  	s26 =	simm.s32 $0x9800  }
0x16f: {  	[tilespmem:s26], [sflag:$0x1] =	stream.indirect_vreg.gather [hbm4b:s16+s3], $0x80, v3, vm0, $0xb8;
	[tilespmem:$0x13000] =	vst v63  }
0x170: {  	s28 =	simm.s32 $0xA000  }
0x171: {  	[tilespmem:s28], [sflag:$0x1] =	stream.indirect_vreg.gather [hbm4b:s17+s3], $0x80, v3, vm0, $0xb8;
	[tilespmem:$0x13000] =	vst v63  }
0x172: {  	s29 =	simm.s32 $0xA800  }
0x173: {  	[tilespmem:s29], [sflag:$0x1] =	stream.indirect_vreg.gather [hbm4b:s18+s3], $0x80, v3, vm0, $0xb8;
	[tilespmem:$0x13000] =	vst v63  }
0x174: {  	_ =	swait.ge [sflag:s0], $0x8000  }
0x175: {  	[sflag:s0] =	ssyncset.done $0x0  }
0x176: {  	s4 =	rddreg [dreg:$0xa];
	[sflag:s0] =	ssyncadd.s32 $0xFFFF8000  }
0x177: {  	[hbm4b:s4+s3] =	stream.linear.scatter [tilespmem:s9], [sflag:$0x3], $0x8000, $0x38;
	[tilespmem:$0x13000] =	vst v63  }
0x178: {  	_ =	swait.ge [sflag:s20], $0x8000  }
0x179: {  	[sflag:s20] =	ssyncset.done $0x0  }
0x17a: {  	s2 =	rddreg [dreg:$0x18];
	[sflag:s20] =	ssyncadd.s32 $0xFFFF8000  }
0x17b: {  	v3 =	vld [tilespmem:s2+$0x0];
	_ =	sdelay $0x4  }
0x17c: {  	v54 =	vshll.u32 v3, $0x3  }
0x17d: {  	v3 =	vand.u32 $0x7, v3;
	v4 =	vand.u32 $0xFFFFFFC0, v54  }
0x17e: {  	v3 =	vor.u32 v3, v4  }
0x17f: {  	v4 =	vperm.xlane v3, v0;
	_ =	sdelay $0x1  }
0x180: {  	v4 =	vadd.s32 v1, v4;
	_ =	sdelay $0x4  }
0x181: {  	[tilespmem:s9], [sflag:$0x2] =	stream.indirect_vreg.gather [hbm4b:s1+s3], $0x80, v4, vm0, $0xb8;
	[tilespmem:$0x13000] =	vst v63  }
0x182: {  	s21 =	simm.s32 $0xB800;
	v3 =	vperm.xlane v3, v2  }
0x183: {  	[tilespmem:s21], [sflag:$0x2] =	stream.indirect_vreg.gather [hbm4b:s16+s3], $0x80, v4, vm0, $0xb8;
	[tilespmem:$0x13000] =	vst v63  }
0x184: {  	s6 =	simm.s32 $0xC000;
	v3 =	vadd.s32 v1, v3  }
0x185: {  	[tilespmem:s6], [sflag:$0x2] =	stream.indirect_vreg.gather [hbm4b:s17+s3], $0x80, v4, vm0, $0xb8;
	[tilespmem:$0x13000] =	vst v63  }
0x186: {  	s7 =	simm.s32 $0xC800  }
0x187: {  	[tilespmem:s7], [sflag:$0x2] =	stream.indirect_vreg.gather [hbm4b:s18+s3], $0x80, v4, vm0, $0xb8;
	[tilespmem:$0x13000] =	vst v63  }
0x188: {  	s8 =	simm.s32 $0xD000  }
0x189: {  	[tilespmem:s8], [sflag:$0x2] =	stream.indirect_vreg.gather [hbm4b:s1+s3], $0x80, v3, vm0, $0xb8;
	[tilespmem:$0x13000] =	vst v63  }
0x18a: {  	s6 =	simm.s32 $0xD800  }
0x18b: {  	[tilespmem:s6], [sflag:$0x2] =	stream.indirect_vreg.gather [hbm4b:s16+s3], $0x80, v3, vm0, $0xb8;
	[tilespmem:$0x13000] =	vst v63  }
0x18c: {  	s5 =	simm.s32 $0xE000  }
0x18d: {  	[tilespmem:s5], [sflag:$0x2] =	stream.indirect_vreg.gather [hbm4b:s17+s3], $0x80, v3, vm0, $0xb8;
	[tilespmem:$0x13000] =	vst v63  }
0x18e: {  	s5 =	simm.s32 $0xE800  }
0x18f: {  	[tilespmem:s5], [sflag:$0x2] =	stream.indirect_vreg.gather [hbm4b:s18+s3], $0x80, v3, vm0, $0xb8;
	[tilespmem:$0x13000] =	vst v63  }
0x190: {  	v3 =	vld [tilespmem:s2+$0x10];
	_ =	sdelay $0x4  }
0x191: {  	v55 =	vshll.u32 v3, $0x3  }
0x192: {  	v3 =	vand.u32 $0x7, v3;
	v4 =	vand.u32 $0xFFFFFFC0, v55  }
0x193: {  	v3 =	vor.u32 v3, v4  }
0x194: {  	v4 =	vperm.xlane v3, v0;
	_ =	sdelay $0x1  }
0x195: {  	v4 =	vadd.s32 v1, v4;
	_ =	sdelay $0x3  }
0x196: {  	s30 =	simm.s32 $0xF000  }
0x197: {  	[tilespmem:s30], [sflag:$0x2] =	stream.indirect_vreg.gather [hbm4b:s1+s3], $0x80, v4, vm0, $0xb8;
	[tilespmem:$0x13000] =	vst v63  }
0x198: {  	s24 =	simm.s32 $0xF800;
	v3 =	vperm.xlane v3, v2  }
0x199: {  	[tilespmem:s24], [sflag:$0x2] =	stream.indirect_vreg.gather [hbm4b:s16+s3], $0x80, v4, vm0, $0xb8;
	[tilespmem:$0x13000] =	vst v63  }
0x19a: {  	s10 =	simm.s32 $0x10000;
	v3 =	vadd.s32 v1, v3  }
0x19b: {  	[tilespmem:s10], [sflag:$0x2] =	stream.indirect_vreg.gather [hbm4b:s17+s3], $0x80, v4, vm0, $0xb8;
	[tilespmem:$0x13000] =	vst v63  }
0x19c: {  	s13 =	simm.s32 $0x10800  }
0x19d: {  	[tilespmem:s13], [sflag:$0x2] =	stream.indirect_vreg.gather [hbm4b:s18+s3], $0x80, v4, vm0, $0xb8;
	[tilespmem:$0x13000] =	vst v63  }
0x19e: {  	s14 =	simm.s32 $0x11000  }
0x19f: {  	[tilespmem:s14], [sflag:$0x2] =	stream.indirect_vreg.gather [hbm4b:s1+s3], $0x80, v3, vm0, $0xb8;
	[tilespmem:$0x13000] =	vst v63  }
0x1a0: {  	s15 =	simm.s32 $0x11800  }
0x1a1: {  	[tilespmem:s15], [sflag:$0x2] =	stream.indirect_vreg.gather [hbm4b:s16+s3], $0x80, v3, vm0, $0xb8;
	[tilespmem:$0x13000] =	vst v63  }
0x1a2: {  	s23 =	simm.s32 $0x12000  }
0x1a3: {  	[tilespmem:s23], [sflag:$0x2] =	stream.indirect_vreg.gather [hbm4b:s17+s3], $0x80, v3, vm0, $0xb8;
	[tilespmem:$0x13000] =	vst v63  }
0x1a4: {  	s11 =	simm.s32 $0x12800  }
0x1a5: {  	[tilespmem:s11], [sflag:$0x2] =	stream.indirect_vreg.gather [hbm4b:s18+s3], $0x80, v3, vm0, $0xb8;
	[tilespmem:$0x13000] =	vst v63  }
0x1a6: {  	_ =	swait.ge [sflag:s31], $0x8000  }
0x1a7: {  	[sflag:s31] =	ssyncset.done $0x0  }
0x1a8: {  	s5 =	rddreg [dreg:$0xb];
	[sflag:s31] =	ssyncadd.s32 $0xFFFF8000  }
0x1a9: {  	[hbm4b:s5+s3] =	stream.linear.scatter [tilespmem:s12], [sflag:$0x3], $0x8000, $0x38;
	[tilespmem:$0x13000] =	vst v63  }
0x1aa: {  	_ =	swait.ge [sflag:s20], $0x8000  }
0x1ab: {  	[sflag:s20] =	ssyncset.done $0x0  }
0x1ac: {  	s2 =	rddreg [dreg:$0x19];
	[sflag:s20] =	ssyncadd.s32 $0xFFFF8000  }
0x1ad: {  	v3 =	vld [tilespmem:s2+$0x0];
	_ =	sdelay $0x4  }
0x1ae: {  	v56 =	vshll.u32 v3, $0x3  }
0x1af: {  	v3 =	vand.u32 $0x7, v3;
	v4 =	vand.u32 $0xFFFFFFC0, v56  }
0x1b0: {  	v3 =	vor.u32 v3, v4  }
0x1b1: {  	v4 =	vperm.xlane v3, v0;
	_ =	sdelay $0x1  }
0x1b2: {  	v4 =	vadd.s32 v1, v4;
	_ =	sdelay $0x4  }
0x1b3: {  	[tilespmem:s12], [sflag:$0x1] =	stream.indirect_vreg.gather [hbm4b:s1+s3], $0x80, v4, vm0, $0xb8;
	[tilespmem:$0x13000] =	vst v63  }
0x1b4: {  	s10 =	simm.s32 $0x3800;
	v3 =	vperm.xlane v3, v2  }
0x1b5: {  	[tilespmem:s10], [sflag:$0x1] =	stream.indirect_vreg.gather [hbm4b:s16+s3], $0x80, v4, vm0, $0xb8;
	[tilespmem:$0x13000] =	vst v63  }
0x1b6: {  	s11 =	simm.s32 $0x4000;
	v3 =	vadd.s32 v1, v3  }
0x1b7: {  	[tilespmem:s11], [sflag:$0x1] =	stream.indirect_vreg.gather [hbm4b:s17+s3], $0x80, v4, vm0, $0xb8;
	[tilespmem:$0x13000] =	vst v63  }
0x1b8: {  	s13 =	simm.s32 $0x4800  }
0x1b9: {  	[tilespmem:s13], [sflag:$0x1] =	stream.indirect_vreg.gather [hbm4b:s18+s3], $0x80, v4, vm0, $0xb8;
	[tilespmem:$0x13000] =	vst v63  }
0x1ba: {  	s10 =	simm.s32 $0x5000  }
0x1bb: {  	[tilespmem:s10], [sflag:$0x1] =	stream.indirect_vreg.gather [hbm4b:s1+s3], $0x80, v3, vm0, $0xb8;
	[tilespmem:$0x13000] =	vst v63  }
0x1bc: {  	s11 =	simm.s32 $0x5800  }
0x1bd: {  	[tilespmem:s11], [sflag:$0x1] =	stream.indirect_vreg.gather [hbm4b:s16+s3], $0x80, v3, vm0, $0xb8;
	[tilespmem:$0x13000] =	vst v63  }
0x1be: {  	s13 =	simm.s32 $0x6000  }
0x1bf: {  	[tilespmem:s13], [sflag:$0x1] =	stream.indirect_vreg.gather [hbm4b:s17+s3], $0x80, v3, vm0, $0xb8;
	[tilespmem:$0x13000] =	vst v63  }
0x1c0: {  	s10 =	simm.s32 $0x6800  }
0x1c1: {  	[tilespmem:s10], [sflag:$0x1] =	stream.indirect_vreg.gather [hbm4b:s18+s3], $0x80, v3, vm0, $0xb8;
	[tilespmem:$0x13000] =	vst v63  }
0x1c2: {  	v3 =	vld [tilespmem:s2+$0x10];
	_ =	sdelay $0x4  }
0x1c3: {  	v57 =	vshll.u32 v3, $0x3  }
0x1c4: {  	v3 =	vand.u32 $0x7, v3;
	v4 =	vand.u32 $0xFFFFFFC0, v57  }
0x1c5: {  	v3 =	vor.u32 v3, v4  }
0x1c6: {  	v4 =	vperm.xlane v3, v0;
	_ =	sdelay $0x1  }
0x1c7: {  	v4 =	vadd.s32 v1, v4;
	_ =	sdelay $0x3  }
0x1c8: {  	s13 =	simm.s32 $0x7000  }
0x1c9: {  	[tilespmem:s13], [sflag:$0x1] =	stream.indirect_vreg.gather [hbm4b:s1+s3], $0x80, v4, vm0, $0xb8;
	[tilespmem:$0x13000] =	vst v63  }
0x1ca: {  	s5 =	simm.s32 $0x7800;
	v3 =	vperm.xlane v3, v2  }
0x1cb: {  	[tilespmem:s5], [sflag:$0x1] =	stream.indirect_vreg.gather [hbm4b:s16+s3], $0x80, v4, vm0, $0xb8;
	[tilespmem:$0x13000] =	vst v63  }
0x1cc: {  	s22 =	simm.s32 $0x8000;
	v3 =	vadd.s32 v1, v3  }
0x1cd: {  	[tilespmem:s22], [sflag:$0x1] =	stream.indirect_vreg.gather [hbm4b:s17+s3], $0x80, v4, vm0, $0xb8;
	[tilespmem:$0x13000] =	vst v63  }
0x1ce: {  	s10 =	simm.s32 $0x8800  }
0x1cf: {  	[tilespmem:s10], [sflag:$0x1] =	stream.indirect_vreg.gather [hbm4b:s18+s3], $0x80, v4, vm0, $0xb8;
	[tilespmem:$0x13000] =	vst v63  }
0x1d0: {  	s25 =	simm.s32 $0x9000  }
0x1d1: {  	[tilespmem:s25], [sflag:$0x1] =	stream.indirect_vreg.gather [hbm4b:s1+s3], $0x80, v3, vm0, $0xb8;
	[tilespmem:$0x13000] =	vst v63  }
0x1d2: {  	s26 =	simm.s32 $0x9800  }
0x1d3: {  	[tilespmem:s26], [sflag:$0x1] =	stream.indirect_vreg.gather [hbm4b:s16+s3], $0x80, v3, vm0, $0xb8;
	[tilespmem:$0x13000] =	vst v63  }
0x1d4: {  	s28 =	simm.s32 $0xA000  }
0x1d5: {  	[tilespmem:s28], [sflag:$0x1] =	stream.indirect_vreg.gather [hbm4b:s17+s3], $0x80, v3, vm0, $0xb8;
	[tilespmem:$0x13000] =	vst v63  }
0x1d6: {  	s29 =	simm.s32 $0xA800  }
0x1d7: {  	[tilespmem:s29], [sflag:$0x1] =	stream.indirect_vreg.gather [hbm4b:s18+s3], $0x80, v3, vm0, $0xb8;
	[tilespmem:$0x13000] =	vst v63  }
0x1d8: {  	_ =	swait.ge [sflag:s0], $0x8000  }
0x1d9: {  	[sflag:s0] =	ssyncset.done $0x0  }
0x1da: {  	s11 =	rddreg [dreg:$0xc];
	[sflag:s0] =	ssyncadd.s32 $0xFFFF8000  }
0x1db: {  	[hbm4b:s11+s3] =	stream.linear.scatter [tilespmem:s9], [sflag:$0x3], $0x8000, $0x38;
	[tilespmem:$0x13000] =	vst v63  }
0x1dc: {  	_ =	swait.ge [sflag:s20], $0x8000  }
0x1dd: {  	[sflag:s20] =	ssyncset.done $0x0  }
0x1de: {  	s2 =	rddreg [dreg:$0x1a];
	[sflag:s20] =	ssyncadd.s32 $0xFFFF8000  }
0x1df: {  	v3 =	vld [tilespmem:s2+$0x0];
	_ =	sdelay $0x4  }
0x1e0: {  	v58 =	vshll.u32 v3, $0x3  }
0x1e1: {  	v3 =	vand.u32 $0x7, v3;
	v4 =	vand.u32 $0xFFFFFFC0, v58  }
0x1e2: {  	v3 =	vor.u32 v3, v4  }
0x1e3: {  	v4 =	vperm.xlane v3, v0;
	_ =	sdelay $0x1  }
0x1e4: {  	v4 =	vadd.s32 v1, v4;
	_ =	sdelay $0x4  }
0x1e5: {  	[tilespmem:s9], [sflag:$0x2] =	stream.indirect_vreg.gather [hbm4b:s1+s3], $0x80, v4, vm0, $0xb8;
	[tilespmem:$0x13000] =	vst v63  }
0x1e6: {  	s21 =	simm.s32 $0xB800;
	v3 =	vperm.xlane v3, v2  }
0x1e7: {  	[tilespmem:s21], [sflag:$0x2] =	stream.indirect_vreg.gather [hbm4b:s16+s3], $0x80, v4, vm0, $0xb8;
	[tilespmem:$0x13000] =	vst v63  }
0x1e8: {  	s26 =	simm.s32 $0xC000;
	v3 =	vadd.s32 v1, v3  }
0x1e9: {  	[tilespmem:s26], [sflag:$0x2] =	stream.indirect_vreg.gather [hbm4b:s17+s3], $0x80, v4, vm0, $0xb8;
	[tilespmem:$0x13000] =	vst v63  }
0x1ea: {  	s7 =	simm.s32 $0xC800  }
0x1eb: {  	[tilespmem:s7], [sflag:$0x2] =	stream.indirect_vreg.gather [hbm4b:s18+s3], $0x80, v4, vm0, $0xb8;
	[tilespmem:$0x13000] =	vst v63  }
0x1ec: {  	s8 =	simm.s32 $0xD000  }
0x1ed: {  	[tilespmem:s8], [sflag:$0x2] =	stream.indirect_vreg.gather [hbm4b:s1+s3], $0x80, v3, vm0, $0xb8;
	[tilespmem:$0x13000] =	vst v63  }
0x1ee: {  	s6 =	simm.s32 $0xD800  }
0x1ef: {  	[tilespmem:s6], [sflag:$0x2] =	stream.indirect_vreg.gather [hbm4b:s16+s3], $0x80, v3, vm0, $0xb8;
	[tilespmem:$0x13000] =	vst v63  }
0x1f0: {  	s4 =	simm.s32 $0xE000  }
0x1f1: {  	[tilespmem:s4], [sflag:$0x2] =	stream.indirect_vreg.gather [hbm4b:s17+s3], $0x80, v3, vm0, $0xb8;
	[tilespmem:$0x13000] =	vst v63  }
0x1f2: {  	s4 =	simm.s32 $0xE800  }
0x1f3: {  	[tilespmem:s4], [sflag:$0x2] =	stream.indirect_vreg.gather [hbm4b:s18+s3], $0x80, v3, vm0, $0xb8;
	[tilespmem:$0x13000] =	vst v63  }
0x1f4: {  	v3 =	vld [tilespmem:s2+$0x10];
	_ =	sdelay $0x4  }
0x1f5: {  	v59 =	vshll.u32 v3, $0x3  }
0x1f6: {  	v3 =	vand.u32 $0x7, v3;
	v4 =	vand.u32 $0xFFFFFFC0, v59  }
0x1f7: {  	v3 =	vor.u32 v3, v4  }
0x1f8: {  	v4 =	vperm.xlane v3, v0;
	_ =	sdelay $0x1  }
0x1f9: {  	v4 =	vadd.s32 v1, v4;
	_ =	sdelay $0x3  }
0x1fa: {  	s11 =	simm.s32 $0xF000  }
0x1fb: {  	[tilespmem:s11], [sflag:$0x2] =	stream.indirect_vreg.gather [hbm4b:s1+s3], $0x80, v4, vm0, $0xb8;
	[tilespmem:$0x13000] =	vst v63  }
0x1fc: {  	s30 =	simm.s32 $0xF800;
	v3 =	vperm.xlane v3, v2  }
0x1fd: {  	[tilespmem:s30], [sflag:$0x2] =	stream.indirect_vreg.gather [hbm4b:s16+s3], $0x80, v4, vm0, $0xb8;
	[tilespmem:$0x13000] =	vst v63  }
0x1fe: {  	s6 =	simm.s32 $0x10000;
	v3 =	vadd.s32 v1, v3  }
0x1ff: {  	[tilespmem:s6], [sflag:$0x2] =	stream.indirect_vreg.gather [hbm4b:s17+s3], $0x80, v4, vm0, $0xb8;
	[tilespmem:$0x13000] =	vst v63  }
0x200: {  	s24 =	simm.s32 $0x10800  }
0x201: {  	[tilespmem:s24], [sflag:$0x2] =	stream.indirect_vreg.gather [hbm4b:s18+s3], $0x80, v4, vm0, $0xb8;
	[tilespmem:$0x13000] =	vst v63  }
0x202: {  	s14 =	simm.s32 $0x11000  }
0x203: {  	[tilespmem:s14], [sflag:$0x2] =	stream.indirect_vreg.gather [hbm4b:s1+s3], $0x80, v3, vm0, $0xb8;
	[tilespmem:$0x13000] =	vst v63  }
0x204: {  	s15 =	simm.s32 $0x11800  }
0x205: {  	[tilespmem:s15], [sflag:$0x2] =	stream.indirect_vreg.gather [hbm4b:s16+s3], $0x80, v3, vm0, $0xb8;
	[tilespmem:$0x13000] =	vst v63  }
0x206: {  	s23 =	simm.s32 $0x12000  }
0x207: {  	[tilespmem:s23], [sflag:$0x2] =	stream.indirect_vreg.gather [hbm4b:s17+s3], $0x80, v3, vm0, $0xb8;
	[tilespmem:$0x13000] =	vst v63  }
0x208: {  	s23 =	simm.s32 $0x12800  }
0x209: {  	[tilespmem:s23], [sflag:$0x2] =	stream.indirect_vreg.gather [hbm4b:s18+s3], $0x80, v3, vm0, $0xb8;
	[tilespmem:$0x13000] =	vst v63  }
0x20a: {  	_ =	swait.ge [sflag:s31], $0x8000  }
0x20b: {  	[sflag:s31] =	ssyncset.done $0x0  }
0x20c: {  	s4 =	rddreg [dreg:$0xd];
	[sflag:s31] =	ssyncadd.s32 $0xFFFF8000  }
0x20d: {  	[hbm4b:s4+s3] =	stream.linear.scatter [tilespmem:s12], [sflag:$0x3], $0x8000, $0x38;
	[tilespmem:$0x13000] =	vst v63  }
0x20e: {  	_ =	swait.ge [sflag:s20], $0x8000  }
0x20f: {  	[sflag:s20] =	ssyncset.done $0x0  }
0x210: {  	s2 =	rddreg [dreg:$0x1b];
	[sflag:s20] =	ssyncadd.s32 $0xFFFF8000  }
0x211: {  	v3 =	vld [tilespmem:s2+$0x0];
	_ =	sdelay $0x4  }
0x212: {  	v60 =	vshll.u32 v3, $0x3  }
0x213: {  	v3 =	vand.u32 $0x7, v3;
	v4 =	vand.u32 $0xFFFFFFC0, v60  }
0x214: {  	v3 =	vor.u32 v3, v4  }
0x215: {  	v4 =	vperm.xlane v3, v0;
	_ =	sdelay $0x1  }
0x216: {  	v4 =	vadd.s32 v1, v4;
	_ =	sdelay $0x4  }
0x217: {  	[tilespmem:s12], [sflag:$0x1] =	stream.indirect_vreg.gather [hbm4b:s1+s3], $0x80, v4, vm0, $0xb8;
	[tilespmem:$0x13000] =	vst v63  }
0x218: {  	s4 =	simm.s32 $0x3800;
	v3 =	vperm.xlane v3, v2  }
0x219: {  	[tilespmem:s4], [sflag:$0x1] =	stream.indirect_vreg.gather [hbm4b:s16+s3], $0x80, v4, vm0, $0xb8;
	[tilespmem:$0x13000] =	vst v63  }
0x21a: {  	v3 =	vadd.s32 v1, v3;
	s4 =	simm.s32 $0x4000  }
0x21b: {  	[tilespmem:s4], [sflag:$0x1] =	stream.indirect_vreg.gather [hbm4b:s17+s3], $0x80, v4, vm0, $0xb8;
	[tilespmem:$0x13000] =	vst v63  }
0x21c: {  	s4 =	simm.s32 $0x4800  }
0x21d: {  	[tilespmem:s4], [sflag:$0x1] =	stream.indirect_vreg.gather [hbm4b:s18+s3], $0x80, v4, vm0, $0xb8;
	[tilespmem:$0x13000] =	vst v63  }
0x21e: {  	s4 =	simm.s32 $0x5000  }
0x21f: {  	[tilespmem:s4], [sflag:$0x1] =	stream.indirect_vreg.gather [hbm4b:s1+s3], $0x80, v3, vm0, $0xb8;
	[tilespmem:$0x13000] =	vst v63  }
0x220: {  	s4 =	simm.s32 $0x5800  }
0x221: {  	[tilespmem:s4], [sflag:$0x1] =	stream.indirect_vreg.gather [hbm4b:s16+s3], $0x80, v3, vm0, $0xb8;
	[tilespmem:$0x13000] =	vst v63  }
0x222: {  	s4 =	simm.s32 $0x6000  }
0x223: {  	[tilespmem:s4], [sflag:$0x1] =	stream.indirect_vreg.gather [hbm4b:s17+s3], $0x80, v3, vm0, $0xb8;
	[tilespmem:$0x13000] =	vst v63  }
0x224: {  	s4 =	simm.s32 $0x6800  }
0x225: {  	[tilespmem:s4], [sflag:$0x1] =	stream.indirect_vreg.gather [hbm4b:s18+s3], $0x80, v3, vm0, $0xb8;
	[tilespmem:$0x13000] =	vst v63  }
0x226: {  	v3 =	vld [tilespmem:s2+$0x10];
	_ =	sdelay $0x4  }
0x227: {  	v61 =	vshll.u32 v3, $0x3  }
0x228: {  	v3 =	vand.u32 $0x7, v3;
	v4 =	vand.u32 $0xFFFFFFC0, v61  }
0x229: {  	v3 =	vor.u32 v3, v4  }
0x22a: {  	v4 =	vperm.xlane v3, v0;
	_ =	sdelay $0x1  }
0x22b: {  	v4 =	vadd.s32 v1, v4;
	_ =	sdelay $0x3  }
0x22c: {  	s4 =	simm.s32 $0x7000  }
0x22d: {  	[tilespmem:s4], [sflag:$0x1] =	stream.indirect_vreg.gather [hbm4b:s1+s3], $0x80, v4, vm0, $0xb8;
	[tilespmem:$0x13000] =	vst v63  }
0x22e: {  	v3 =	vperm.xlane v3, v2;
	s4 =	simm.s32 $0x7800  }
0x22f: {  	[tilespmem:s4], [sflag:$0x1] =	stream.indirect_vreg.gather [hbm4b:s16+s3], $0x80, v4, vm0, $0xb8;
	[tilespmem:$0x13000] =	vst v63  }
0x230: {  	s5 =	simm.s32 $0x8000;
	v3 =	vadd.s32 v1, v3  }
0x231: {  	[tilespmem:s5], [sflag:$0x1] =	stream.indirect_vreg.gather [hbm4b:s17+s3], $0x80, v4, vm0, $0xb8;
	[tilespmem:$0x13000] =	vst v63  }
0x232: {  	s13 =	simm.s32 $0x8800  }
0x233: {  	[tilespmem:s13], [sflag:$0x1] =	stream.indirect_vreg.gather [hbm4b:s18+s3], $0x80, v4, vm0, $0xb8;
	[tilespmem:$0x13000] =	vst v63  }
0x234: {  	s22 =	simm.s32 $0x9000  }
0x235: {  	[tilespmem:s22], [sflag:$0x1] =	stream.indirect_vreg.gather [hbm4b:s1+s3], $0x80, v3, vm0, $0xb8;
	[tilespmem:$0x13000] =	vst v63  }
0x236: {  	s25 =	simm.s32 $0x9800  }
0x237: {  	[tilespmem:s25], [sflag:$0x1] =	stream.indirect_vreg.gather [hbm4b:s16+s3], $0x80, v3, vm0, $0xb8;
	[tilespmem:$0x13000] =	vst v63  }
0x238: {  	s10 =	simm.s32 $0xA000  }
0x239: {  	[tilespmem:s10], [sflag:$0x1] =	stream.indirect_vreg.gather [hbm4b:s17+s3], $0x80, v3, vm0, $0xb8;
	[tilespmem:$0x13000] =	vst v63  }
0x23a: {  	s28 =	simm.s32 $0xA800  }
0x23b: {  	[tilespmem:s28], [sflag:$0x1] =	stream.indirect_vreg.gather [hbm4b:s18+s3], $0x80, v3, vm0, $0xb8;
	[tilespmem:$0x13000] =	vst v63  }
0x23c: {  	_ =	swait.ge [sflag:s0], $0x8000  }
0x23d: {  	[sflag:s0] =	ssyncset.done $0x0  }
0x23e: {  	s13 =	rddreg [dreg:$0xe];
	[sflag:s0] =	ssyncadd.s32 $0xFFFF8000  }
0x23f: {  	[hbm4b:s13+s3] =	stream.linear.scatter [tilespmem:s9], [sflag:$0x3], $0x8000, $0x38;
	[tilespmem:$0x13000] =	vst v63  }
0x240: {  	_ =	swait.ge [sflag:s20], $0x8000  }
0x241: {  	[sflag:s20] =	ssyncset.done $0x0  }
0x242: {  	s22 =	rddreg [dreg:$0x1c];
	[sflag:s20] =	ssyncadd.s32 $0xFFFF8000  }
0x243: {  	v3 =	vld [tilespmem:s22+$0x0];
	_ =	sdelay $0x4  }
0x244: {  	v62 =	vshll.u32 v3, $0x3  }
0x245: {  	v3 =	vand.u32 $0x7, v3;
	v4 =	vand.u32 $0xFFFFFFC0, v62  }
0x246: {  	v3 =	vor.u32 v3, v4  }
0x247: {  	v4 =	vperm.xlane v3, v0;
	_ =	sdelay $0x1  }
0x248: {  	v4 =	vadd.s32 v1, v4;
	_ =	sdelay $0x4  }
0x249: {  	[tilespmem:s9], [sflag:$0x2] =	stream.indirect_vreg.gather [hbm4b:s1+s3], $0x80, v4, vm0, $0xb8;
	[tilespmem:$0x13000] =	vst v63  }
0x24a: {  	s29 =	simm.s32 $0xB800;
	v3 =	vperm.xlane v3, v2  }
0x24b: {  	[tilespmem:s29], [sflag:$0x2] =	stream.indirect_vreg.gather [hbm4b:s16+s3], $0x80, v4, vm0, $0xb8;
	[tilespmem:$0x13000] =	vst v63  }
0x24c: {  	s21 =	simm.s32 $0xC000;
	v3 =	vadd.s32 v1, v3  }
0x24d: {  	[tilespmem:s21], [sflag:$0x2] =	stream.indirect_vreg.gather [hbm4b:s17+s3], $0x80, v4, vm0, $0xb8;
	[tilespmem:$0x13000] =	vst v63  }
0x24e: {  	s7 =	simm.s32 $0xC800  }
0x24f: {  	[tilespmem:s7], [sflag:$0x2] =	stream.indirect_vreg.gather [hbm4b:s18+s3], $0x80, v4, vm0, $0xb8;
	[tilespmem:$0x13000] =	vst v63  }
0x250: {  	s8 =	simm.s32 $0xD000  }
0x251: {  	[tilespmem:s8], [sflag:$0x2] =	stream.indirect_vreg.gather [hbm4b:s1+s3], $0x80, v3, vm0, $0xb8;
	[tilespmem:$0x13000] =	vst v63  }
0x252: {  	s26 =	simm.s32 $0xD800  }
0x253: {  	[tilespmem:s26], [sflag:$0x2] =	stream.indirect_vreg.gather [hbm4b:s16+s3], $0x80, v3, vm0, $0xb8;
	[tilespmem:$0x13000] =	vst v63  }
0x254: {  	s25 =	simm.s32 $0xE000  }
0x255: {  	[tilespmem:s25], [sflag:$0x2] =	stream.indirect_vreg.gather [hbm4b:s17+s3], $0x80, v3, vm0, $0xb8;
	[tilespmem:$0x13000] =	vst v63  }
0x256: {  	s26 =	simm.s32 $0xE800  }
0x257: {  	[tilespmem:s26], [sflag:$0x2] =	stream.indirect_vreg.gather [hbm4b:s18+s3], $0x80, v3, vm0, $0xb8;
	[tilespmem:$0x13000] =	vst v63  }
0x258: {  	v3 =	vld [tilespmem:s22+$0x10];
	_ =	sdelay $0x4  }
0x259: {  	v63 =	vshll.u32 v3, $0x3  }
0x25a: {  	v3 =	vand.u32 $0x7, v3;
	v4 =	vand.u32 $0xFFFFFFC0, v63  }
0x25b: {  	v3 =	vor.u32 v3, v4  }
0x25c: {  	v4 =	vperm.xlane v3, v0;
	_ =	sdelay $0x1  }
0x25d: {  	v4 =	vadd.s32 v1, v4;
	_ =	sdelay $0x3  }
0x25e: {  	s28 =	simm.s32 $0xF000  }
0x25f: {  	[tilespmem:s28], [sflag:$0x2] =	stream.indirect_vreg.gather [hbm4b:s1+s3], $0x80, v4, vm0, $0xb8;
	[tilespmem:$0x13000] =	vst v63  }
0x260: {  	s30 =	simm.s32 $0xF800;
	v3 =	vperm.xlane v3, v2  }
0x261: {  	[tilespmem:s30], [sflag:$0x2] =	stream.indirect_vreg.gather [hbm4b:s16+s3], $0x80, v4, vm0, $0xb8;
	[tilespmem:$0x13000] =	vst v63  }
0x262: {  	v3 =	vadd.s32 v1, v3  }
0x263: {  	[tilespmem:s6], [sflag:$0x2] =	stream.indirect_vreg.gather [hbm4b:s17+s3], $0x80, v4, vm0, $0xb8;
	[tilespmem:$0x13000] =	vst v63  }
0x264: {  	s11 =	simm.s32 $0x10800  }
0x265: {  	[tilespmem:s11], [sflag:$0x2] =	stream.indirect_vreg.gather [hbm4b:s18+s3], $0x80, v4, vm0, $0xb8;
	[tilespmem:$0x13000] =	vst v63  }
0x266: {  	s24 =	simm.s32 $0x11000  }
0x267: {  	[tilespmem:s24], [sflag:$0x2] =	stream.indirect_vreg.gather [hbm4b:s1+s3], $0x80, v3, vm0, $0xb8;
	[tilespmem:$0x13000] =	vst v63  }
0x268: {  	s14 =	simm.s32 $0x11800  }
0x269: {  	[tilespmem:s14], [sflag:$0x2] =	stream.indirect_vreg.gather [hbm4b:s16+s3], $0x80, v3, vm0, $0xb8;
	[tilespmem:$0x13000] =	vst v63  }
0x26a: {  	s15 =	simm.s32 $0x12000  }
0x26b: {  	[tilespmem:s15], [sflag:$0x2] =	stream.indirect_vreg.gather [hbm4b:s17+s3], $0x80, v3, vm0, $0xb8;
	[tilespmem:$0x13000] =	vst v63  }
0x26c: {  	s23 =	simm.s32 $0x12800  }
0x26d: {  	[tilespmem:s23], [sflag:$0x2] =	stream.indirect_vreg.gather [hbm4b:s18+s3], $0x80, v3, vm0, $0xb8;
	[tilespmem:$0x13000] =	vst v63  }
0x26e: {  	_ =	swait.ge [sflag:s31], $0x8000  }
0x26f: {  	[sflag:s31] =	ssyncset.done $0x0  }
0x270: {  	s29 =	rddreg [dreg:$0xf];
	[sflag:s31] =	ssyncadd.s32 $0xFFFF8000  }
0x271: {  	[hbm4b:s29+s3] =	stream.linear.scatter [tilespmem:s12], [sflag:$0x3], $0x8000, $0x38;
	[tilespmem:$0x13000] =	vst v63  }
0x272: {  	_ =	swait.ge [sflag:s20], $0x8000  }
0x273: {  	[sflag:s20] =	ssyncset.done $0x0  }
0x274: {  	[sflag:s20] =	ssyncadd.s32 $0xFFFF8000  }
0x275: {  	_ =	swait.ge [sflag:s0], $0x8000  }
0x276: {  	p0 =	sne.s32 s19, $0x1;
	[sflag:s0] =	ssyncset.done $0x0  }
.Ltmp0:
0x277: {  	s30 =	rddreg [dreg:$0x10];
	[sflag:s0] =	ssyncadd.s32 $0xFFFF8000;
	(pc) =	sbr.rel @p0 .LBB2_1-.Ltmp0, $4  }
0x278: {  	[hbm4b:s30+s3] =	stream.linear.scatter [tilespmem:s9], [sflag:$0x3], $0x8000, $0x38;
	[tilespmem:$0x13000] =	vst v63  }
0x279: {  	_ =	swait.ge [sflag:s20], $0x8000  }
0x27a: {  	[sflag:s20] =	ssyncset.done $0x0  }
0x27b: {  	s19 =	sadd.s32 $0xFFFFFFFF, s19;
	[sflag:s20] =	ssyncadd.s32 $0xFFFF8000  }
0x27c: {  	_ =	sfence.sel $0x180000  }
0x27d: {  	[bflag:$0x0] =	sbarrier.arrive $0xFFFF  }
0x27e: {  	_ =	strace $0x90000047  }
0x27f: {  	s0 =	stileid.u32;
	[bflag:$0x2] =	sbarrier.arrive $0xFFFF  }
0x280: {  	p0 =	sne.s32 s0, $0x0;
	s0 =	rddreg [dreg:$0x3]  }
0x281: {  	s0 =	sadd.s32 @!p0 $0x100000, s0  }
0x282: {  	[sflag:s0] =	ssyncadd.tile.s32 @!p0 $0x1;
	_ =	shalt  }
.Lfunc_end2:
_tile_overlayer_lowered:
.L_overlay_start_2:
0x283: {  	(tag) =	ssettag $0x2  }
0x284: {  	s0 =	rddreg [dreg:$0x0];
	s2 =	stileid.u32  }
0x285: {  	s1 =	rddreg [dreg:$0x1];
	p0 =	sne.s32 s2, $0x0  }
0x286: {  	s3 =	rddreg [dreg:$0x2];
	[bflag:$0x3] =	sbarrier.arrive $0xFFFF;
	s2 =	simm.s32 @!p0 $0x1C03  }
0x287: {  	[timem:s3], [sflag:s2] =	dma.local @!p0 [hbm:s0], s1  }
0x288: {  	s0 =	simm.s32 @!p0 $0x3  }
0x289: {  	_ =	swait.ge @!p0 [sflag:s0], s1  }
0x28a: {  	s1 =	ssub.s32 @!p0 $0x0, s1;
	[sflag:s0] =	ssyncset.done @!p0 $0x0  }
0x28b: {  	[sflag:s0] =	ssyncadd.s32 @!p0 s1  }
0x28c: {  	[bflag:$0x3] =	sbarrier.arrive $0xFFFF  }
0x28d: {  	_ =	shalt  }

// kernel: kernel.9.cloned.1.call-start
scs
__scs_entry_jumppad:
0x0: {  	(pc) =	sbr.rel $0x88, $3  }
0x1: {  	(tag) =	ssettag $0x0;
	lr =	simm.s32 $0x1  }
0x2: {  	[smem:$0x3F98] =	sst lr;
	_ =	strace $0xD0000000  }
0x3: {  	_ = 	snop  }
0x4: {  	_ = 	snop  }
0x5: {  	_ = 	snop  }
0x6: {  	_ = 	snop  }
0x7: {  	_ = 	snop  }
__scs_overlays_trampoline_lowered:
0x8: {  	[smem:$0x3FA7] =	sst s0  }
0x9: {  	[smem:$0x3FA8] =	sst s1  }
0xa: {  	[smem:$0x3FA9] =	sst s2  }
0xb: {  	[smem:$0x3FAA] =	sst s3  }
0xc: {  	[smem:$0x3FAB] =	sst s4  }
0xd: {  	[smem:$0x3FAC] =	sst s5  }
0xe: {  	[smem:$0x3FAD] =	sst s6  }
0xf: {  	[smem:$0x3FAE] =	sst s7  }
0x10: {  	[smem:$0x3FAF] =	sst s8  }
0x11: {  	[smem:$0x3FB0] =	sst s9;
	s0 =	simm.s32 @!p0 $0x0  }
0x12: {  	s1 =	sld [smem:$0x3F96];
	s0 =	simm.s32 @p0 $0x1  }
0x13: {  	[smem:$0x3FB1] =	sst s0;
	s0 =	simm.s32 @!p1 $0x0  }
0x14: {  	s2 =	sld [smem:$0x3F95];
	s0 =	simm.s32 @p1 $0x1  }
0x15: {  	[smem:$0x3FB2] =	sst s0;
	s0 =	simm.s32 @!p2 $0x0  }
0x16: {  	s3 =	sld [smem:$0x3FDB];
	s0 =	simm.s32 @p2 $0x1  }
0x17: {  	s4 =	simm.s32 $0x1BF5;
	[smem:$0x3FB4] =	sst s0  }
0x18: {  	s0 =	sld [smem:$0x3F97];
	_ =	swait.ge [sflag:s4], $0x0  }
0x19: {  	s7 =	sld [smem:$0x3F98]  }
0x1a: {  	s8 =	sadd.s32 $0xFFFFE003, lr  }
0x1b: {  	s9 =	sadd.s32 $0xFFFFFEF7, lr;
	s5 =	simm.s32 $0xFFFFFFFF;
	p2 =	slt.u32 s8, $0xFFFFF086  }
0x1c: {  	p1 =	slt.u32 s9, $0xF7A;
	s5 =	simm.s32 @!p2 $0x0  }
0x1d: {  	s5 =	simm.s32 @p1 $0x1;
	p0 =	seq.s32 s7, s2  }
0x1e: {  	s7 =	smul.u32 @!p0 $0xF7A, s2;
	p2 =	seq.s32 @!p0 s5, $0x0  }
0x1f: {  	s9 =	smul.u32 $0xF7A, s1;
	s8 =	simm.s32 @!p0 $0x1BF5;
	p2 =	por !p2, p0  }
0x20: {  	[sflag:s8] =	ssyncset.s32 @!p0 $0xFFFFF086;
	s6 =	sadd.s32 @!p0 s3, s7;
	s7 =	simm.s32 @!p0 $0x108  }
0x21: {  	s3 =	sadd.s32 s3, s9;
	s6 =	sadd.s32 @!p0 $0x88, s6;
	s7 =	simm.s32 @p2 $0x1082  }
0x22: {  	[simem:s7], [sflag:s8] =	dma.local @!p0 [hbm:s6], $0xF7A  }
0x23: {  	s9 =	sor.u32 $0xD0000000, s2;
	s6 =	simm.s32 $0x108;
	_ =	swait.ge @!p0 [sflag:s8], $0x0  }
0x24: {  	s3 =	sadd.s32 $0x88, s3;
	s6 =	simm.s32 @!p1 $0x1082;
	[sflag:s4] =	ssyncset.s32 $0xFFFFF086  }
0x25: {  	[simem:s6], [sflag:s4] =	dma.local [hbm:s3], $0xF7A  }
0x26: {  	[smem:$0x3F98] =	sst s1;
	(tag) =	ssettag s2;
	_ =	strace s9  }
0x27: {  	s1 =	sld [smem:$0x3FA8]  }
0x28: {  	s2 =	sld [smem:$0x3FA9]  }
0x29: {  	s4 =	sld [smem:$0x3FAB]  }
0x2a: {  	p0 =	seq.s32 s5, $0x0;
	s5 =	sld [smem:$0x3FAC]  }
0x2b: {  	s6 =	sld [smem:$0x3FAD]  }
0x2c: {  	s7 =	sld [smem:$0x3FAE]  }
0x2d: {  	s3 =	simm.s32 $0x108;
	s8 =	sld [smem:$0x3FAF]  }
0x2e: {  	s3 =	simm.s32 @!p0 $0x1082;
	s9 =	sld [smem:$0x3FB0]  }
0x2f: {  	lr =	sadd.s32 s0, s3;
	s0 =	sld [smem:$0x3FA7]  }
0x30: {  	s3 =	sld [smem:$0x3FAA]  }
0x31: {  	[smem:$0x3FB3] =	sst s10  }
0x32: {  	s10 =	sld [smem:$0x3FB1];
	_ =	sdelay $0x3  }
0x33: {  	p0 =	seq.s32 s10, $0x1;
	s10 =	sld [smem:$0x3FB3];
	_ =	sdelay $0x3  }
0x34: {  	[smem:$0x3FB3] =	sst s10  }
0x35: {  	s10 =	sld [smem:$0x3FB2];
	_ =	sdelay $0x3  }
0x36: {  	p1 =	seq.s32 s10, $0x1;
	s10 =	sld [smem:$0x3FB3];
	_ =	sdelay $0x3  }
0x37: {  	[smem:$0x3FB3] =	sst s10  }
0x38: {  	s10 =	sld [smem:$0x3FB4]  }
0x39: {  	_ = 	snop;
	(pc) =	sbr.ind lr, $3  }
0x3a: {  	_ = 	snop  }
0x3b: {  	_ = 	snop  }
0x3c: {  	p2 =	seq.s32 s10, $0x1;
	s10 =	sld [smem:$0x3FB3]  }
0x3d: {  	_ =	shalt  }
0x3e: {  	_ =	shalt  }
0x3f: {  	_ =	shalt  }
0x40: {  	_ =	shalt  }
0x41: {  	_ =	shalt  }
0x42: {  	_ =	shalt  }
0x43: {  	_ =	shalt  }
0x44: {  	_ =	shalt  }
0x45: {  	_ =	shalt  }
0x46: {  	_ =	shalt  }
0x47: {  	_ =	shalt  }
0x48: {  	_ =	shalt  }
0x49: {  	_ =	shalt  }
0x4a: {  	_ =	shalt  }
0x4b: {  	_ =	shalt  }
0x4c: {  	_ =	shalt  }
0x4d: {  	_ =	shalt  }
0x4e: {  	_ =	shalt  }
0x4f: {  	_ =	shalt  }
0x50: {  	_ =	shalt  }
0x51: {  	_ =	shalt  }
0x52: {  	_ =	shalt  }
0x53: {  	_ =	shalt  }
0x54: {  	_ =	shalt  }
0x55: {  	_ =	shalt  }
0x56: {  	_ =	shalt  }
0x57: {  	_ =	shalt  }
0x58: {  	_ =	shalt  }
0x59: {  	_ =	shalt  }
0x5a: {  	_ =	shalt  }
0x5b: {  	_ =	shalt  }
0x5c: {  	_ =	shalt  }
0x5d: {  	_ =	shalt  }
0x5e: {  	_ =	shalt  }
0x5f: {  	_ =	shalt  }
0x60: {  	_ =	shalt  }
0x61: {  	_ =	shalt  }
0x62: {  	_ =	shalt  }
0x63: {  	_ =	shalt  }
0x64: {  	_ =	shalt  }
0x65: {  	_ =	shalt  }
0x66: {  	_ =	shalt  }
0x67: {  	_ =	shalt  }
0x68: {  	_ =	shalt  }
0x69: {  	_ =	shalt  }
0x6a: {  	_ =	shalt  }
0x6b: {  	_ =	shalt  }
0x6c: {  	_ =	shalt  }
0x6d: {  	_ =	shalt  }
0x6e: {  	_ =	shalt  }
0x6f: {  	_ =	shalt  }
0x70: {  	_ =	shalt  }
0x71: {  	_ =	shalt  }
0x72: {  	_ =	shalt  }
0x73: {  	_ =	shalt  }
0x74: {  	_ =	shalt  }
0x75: {  	_ =	shalt  }
0x76: {  	_ =	shalt  }
0x77: {  	_ =	shalt  }
0x78: {  	_ =	shalt  }
0x79: {  	_ =	shalt  }
0x7a: {  	_ =	shalt  }
0x7b: {  	_ =	shalt  }
0x7c: {  	_ =	shalt  }
0x7d: {  	_ =	shalt  }
0x7e: {  	_ =	shalt  }
0x7f: {  	_ =	shalt  }
0x80: {  	_ =	shalt  }
0x81: {  	_ =	shalt  }
0x82: {  	_ =	shalt  }
0x83: {  	_ =	shalt  }
0x84: {  	_ =	shalt  }
0x85: {  	_ =	shalt  }
0x86: {  	_ =	shalt  }
0x87: {  	_ =	shalt  }
.Lfunc_end0:
.L_simem_size_0:
called_computation.1_lowered:
.L_overlay_start_0:
0x88: {  	s2 =	sld [smem:$0x3FD9]  }
0x89: {  	s3 =	sld [smem:$0x3FFE];
	_ =	sdelay $0x1  }
0x8a: {  	s1 =	srdreg.scid  }
0x8b: {  	s0 =	sand.u32 $0x1, s1  }
0x8c: {  	s17 =	sshll.u32 s0, $0xA;
	s2 =	sadd.s32 s3, s2  }
0x8d: {  	s2 =	sadd.s32 s2, s17  }
0x8e: {  	[smem:$0x3FBF] =	sst s2  }
0x8f: {  	_ = 	snop  }
0x90: {  	s2 =	sld [smem:$0x3FD0];
	(tm) =	ssettm $0x1  }
0x91: {  	s18 =	sld [smem:$0x3FFB];
	_ =	sdelay $0x3  }
0x92: {  	_ =	strace s18  }
0x93: {  	s3 =	sld [smem:$0x3FFC];
	_ =	sdelay $0x3  }
0x94: {  	_ =	strace s3  }
0x95: {  	s3 =	sld [smem:$0x3FFD];
	_ =	sdelay $0x3  }
0x96: {  	_ =	strace s3  }
0x97: {  	_ =	strace $0x8FFFFFFF  }
0x98: {  	s19 =	sld [smem:$0x3FDB];
	_ =	sdelay $0x1  }
0x99: {  	s4 =	simm.s32 $_scs_section_size  }
0x9a: {  	s5 =	simm.s32 $_size__tile_overlayer_lowered;
	s6 =	simm.s32 $_tile_overlayer_lowered  }
0x9b: {  	s22 =	simm.s32 $0x1BFF;
	s21 =	sshll.u32 s6, $0x1;
	s3 =	sadd.s32 s4, s19  }
0x9c: {  	s7 =	simm.s32 $0x0;
	s20 =	sshll.u32 s5, $0x1;
	s5 =	sadd.s32 s21, s3  }
0x9d: {  	[timem:s7], [sflag:s22] =	dma.local [hbm:s5], s20  }
0x9e: {  	_ =	swait.ge [sflag:s22], s20  }
0x9f: {  	s4 =	ssub.s32 $0x0, s20;
	[sflag:s22] =	ssyncset.done $0x0  }
0xa0: {  	[sflag:s22] =	ssyncadd.s32 s4;
	_ =	sdelay $0x1  }
0xa1: {  	s23 =	simm.s32 $0x1B8B  }
0xa2: {  	_ =	swait.ge [sflag:s23], $0x1  }
0xa3: {  	[sflag:s23] =	ssyncset.done $0x0  }
0xa4: {  	s25 =	simm.s32 $0x1B8E;
	s24 =	sld [smem:$0x3FFE];
	[sflag:s23] =	ssyncadd.s32 $0xFFFFFFFF  }
0xa5: {  	s26 =	simm.s32 $execute0_lowered;
	[smem:$0x3FD2] =	sst s25  }
0xa6: {  	s5 =	sshll.u32 s26, $0x1;
	_ =	strace $0x80000049;
	[dreg:$0x1] =	wrdreg $0xFFFFFFFF  }
0xa7: {  	s28 =	simm.s32 $_size_execute0_lowered;
	s3 =	sadd.s32 s3, s5;
	[dreg:$0x0] =	wrdreg $0x0  }
0xa8: {  	s5 =	sshll.u32 s28, $0x1;
	[dreg:$0x2] =	wrdreg s3  }
0xa9: {  	[dreg:$0x3] =	wrdreg s5  }
0xaa: {  	[dreg:$0x4] =	wrdreg $0xC0  }
0xab: {  	_ =	task [dreg:s7], $0x5FFFF  }
0xac: {  	[dreg:$0x1] =	wrdreg $0xFFFFFFFF  }
0xad: {  	[dreg:$0x0] =	wrdreg $0x60  }
0xae: {  	[dreg:$0x2] =	wrdreg s24  }
0xaf: {  	[dreg:$0x3] =	wrdreg s2  }
0xb0: {  	[dreg:$0x4] =	wrdreg $0x9  }
0xb1: {  	_ =	task.clear_ibuf [dreg:s7], $0x5FFFF;
	_ =	strace $0x90000049  }
0xb2: {  	s29 =	simm.s32 $0x9;
	_ =	strace $0x8000004B  }
0xb3: {  	_ =	swait.ge [sflag:s29], $0x1  }
0xb4: {  	[sflag:s29] =	ssyncadd.s32 $0xFFFFFFFF  }
0xb5: {  	_ =	strace $0x9000004B  }
0xb6: {  	_ =	sfence  }
0xb7: {  	s30 =	sld [smem:$0x0];
	_ =	sdelay $0x2  }
0xb8: {  	s31 =	sshll.u32 s1, $0xD;
	s1 =	sshrl.u32 s1, $0x2  }
0xb9: {  	s3 =	sand.u32 $0x4000, s31;
	s1 =	sadd.s32 s1, s30  }
0xba: {  	s0 =	sor.u32 s3, s0;
	s1 =	sshll.u32 s1, $0x11  }
0xbb: {  	s0 =	sor.u32 s1, s0  }
0xbc: {  	s0 =	sadd.s32 $0x8F2B, s0  }
0xbd: {  	[sflag:s0] =	ssyncadd.remote.s32 $0x1  }
0xbe: {  	_ =	sfence.sel $0xFFFF  }
0xbf: {  	[dreg:$0x0] =	wrdreg $0xFFFFFFFF;
	(pc) =	sbr.abs _section_cstart, $3  }
0xc0: {  	[dreg:$0x1] =	wrdreg $0xFFFFFFFF  }
0xc1: {  	_ =	task.clear_ibuf [dreg:s7], $0x2FFFF;
	_ =	strace $0x9FFFFFFF  }
0xc2: {  	(tm) =	ssettm $0x7FFFFFFF  }
0xc3: {  	_ =	shalt  }
tec
execute0_lowered:
.L_overlay_start_1:
0x0: {  	(tag) =	ssettag $0x1  }
0x1: {  	s0 =	rddreg [dreg:$0x0]  }
0x2: {  	s2 =	rddreg [dreg:$0x1];
	s1 =	simm.s32 $0x0;
	s4 =	srdreg.scid  }
0x3: {  	s6 =	stileid.u32;
	s12 =	simm.s32 $0x3;
	s28 =	simm.s32 $0x2  }
0x4: {  	s30 =	simm.s32 $0x1000;
	s31 =	simm.s32 $0x1800;
	s14 =	simm.s32 $0x3000  }
0x5: {  	s15 =	simm.s32 $0x3800;
	s16 =	simm.s32 $0x4000;
	s17 =	simm.s32 $0x4800  }
0x6: {  	s18 =	simm.s32 $0x5000;
	s19 =	simm.s32 $0x5800;
	s20 =	simm.s32 $0x6000  }
0x7: {  	s21 =	simm.s32 $0x6800;
	s22 =	simm.s32 $0x7000;
	s23 =	simm.s32 $0x7800  }
0x8: {  	s13 =	simm.s32 $0xB800;
	[smem:$0x7FF] =	sst s1;
	s3 =	sadd.s32 $0x180600, s0  }
0x9: {  	s5 =	sadd.s32 $0x180400, s0;
	s4 =	sand.u32 $0x1, s4;
	s6 =	sshll.u32 s6, $0x1  }
0xa: {  	_ =	strace $0x8000004A;
	[dreg:$0x3] =	wrdreg s5;
	s24 =	ssub.s32 $0x2, s4  }
0xb: {  	s6 =	sor.u32 s4, s6;
	s5 =	simm.s32 $0x1;
	s7 =	sshrl.u32 s24, $0x1  }
0xc: {  	s4 =	sshll.u32 s6, $0x5;
	s6 =	sshll.u32 s6, $0xC;
	s11 =	ssub.s32 s24, s7  }
0xd: {  	s25 =	sor.u32 $0x400, s4;
	s6 =	sadd.s32 s2, s6;
	[dreg:$0xa] =	wrdreg s4  }
0xe: {  	s26 =	sor.u32 $0x800, s4;
	s4 =	sor.u32 $0xC00, s4;
	[dreg:$0x4] =	wrdreg s6  }
0xf: {  	s24 =	simm.s32 $0x8000;
	s7 =	simm.s32 $0xB000;
	[dreg:$0x8] =	wrdreg s25  }
0x10: {  	s29 =	sshll.u32 s25, $0x7;
	[dreg:$0x9] =	wrdreg s26;
	s9 =	sshll.u32 s26, $0x7  }
0x11: {  	[dreg:$0xb] =	wrdreg s4;
	s10 =	sshll.u32 s4, $0x7;
	s11 =	smax.u32 s11, $0x1  }
0x12: {  	s25 =	simm.s32 $0x8800;
	s26 =	simm.s32 $0x9000;
	s8 =	sadd.s32 s2, s29  }
0x13: {  	v2 =	vlaneseq.u32;
	s6 =	simm.s32 $0xA000;
	s9 =	sadd.s32 s2, s9;
	[dreg:$0x5] =	wrdreg s8  }
0x14: {  	vm0 =	vmmov $0xffff;
	v1 =	vshrl.u32 v2, $0x3;
	s2 =	sadd.s32 s2, s10;
	s10 =	sadd.s32 $0x180900, s0;
	[dreg:$0x6] =	wrdreg s9  }
0x15: {  	v0 =	vand.u32 $0x7, v2;
	v2 =	vor.u32 $0x8, v2;
	v1 =	vmul.u32 $0x8, v1;
	s8 =	sadd.s32 $0x180700, s0;
	s9 =	sadd.s32 $0x180800, s0;
	[dreg:$0x7] =	wrdreg s2  }
.LBB2_1:
0x16: {  	s29 =	rddreg [dreg:$0x3]  }
0x17: {  	[tilespmem:s1], [sflag:$0x3] =	stream.linear.gather [hbm4b:s29+s1], $0x1000, $0x38;
	[tilespmem:$0x11000] =	vst v63  }
0x18: {  	_ =	swait.ge [sflag:s12], $0x1000  }
0x19: {  	[sflag:s12] =	ssyncset.done $0x0  }
0x1a: {  	s4 =	rddreg [dreg:$0xa];
	[sflag:s12] =	ssyncadd.s32 $0xFFFFF000  }
0x1b: {  	v3 =	vld [tilespmem:s4+$0x0];
	_ =	sdelay $0x4  }
0x1c: {  	v4 =	vshll.u32 v3, $0x3  }
0x1d: {  	v3 =	vand.u32 $0x7, v3;
	v4 =	vand.u32 $0xFFFFFFC0, v4  }
0x1e: {  	v3 =	vor.u32 v3, v4  }
0x1f: {  	v4 =	vperm.xlane v3, v0;
	_ =	sdelay $0x1  }
0x20: {  	v4 =	vadd.s32 v1, v4;
	_ =	sdelay $0x4  }
0x21: {  	[tilespmem:s30], [sflag:$0x1] =	stream.indirect_vreg.gather [hbm4b:s3+s1], $0x80, v4, vm0, $0xb8;
	[tilespmem:$0x11000] =	vst v63  }
0x22: {  	v3 =	vperm.xlane v3, v2  }
0x23: {  	[tilespmem:s31], [sflag:$0x1] =	stream.indirect_vreg.gather [hbm4b:s8+s1], $0x80, v4, vm0, $0xb8;
	[tilespmem:$0x11000] =	vst v63  }
0x24: {  	s0 =	simm.s32 $0x2000;
	v3 =	vadd.s32 v1, v3  }
0x25: {  	[tilespmem:s0], [sflag:$0x1] =	stream.indirect_vreg.gather [hbm4b:s9+s1], $0x80, v4, vm0, $0xb8;
	[tilespmem:$0x11000] =	vst v63  }
0x26: {  	s2 =	simm.s32 $0x2800  }
0x27: {  	[tilespmem:s2], [sflag:$0x1] =	stream.indirect_vreg.gather [hbm4b:s10+s1], $0x80, v4, vm0, $0xb8;
	[tilespmem:$0x11000] =	vst v63  }
0x28: {  	_ = 	snop  }
0x29: {  	[tilespmem:s14], [sflag:$0x1] =	stream.indirect_vreg.gather [hbm4b:s3+s1], $0x80, v3, vm0, $0xb8;
	[tilespmem:$0x11000] =	vst v63  }
0x2a: {  	_ = 	snop  }
0x2b: {  	[tilespmem:s15], [sflag:$0x1] =	stream.indirect_vreg.gather [hbm4b:s8+s1], $0x80, v3, vm0, $0xb8;
	[tilespmem:$0x11000] =	vst v63  }
0x2c: {  	_ = 	snop  }
0x2d: {  	[tilespmem:s16], [sflag:$0x1] =	stream.indirect_vreg.gather [hbm4b:s9+s1], $0x80, v3, vm0, $0xb8;
	[tilespmem:$0x11000] =	vst v63  }
0x2e: {  	_ = 	snop  }
0x2f: {  	[tilespmem:s17], [sflag:$0x1] =	stream.indirect_vreg.gather [hbm4b:s10+s1], $0x80, v3, vm0, $0xb8;
	[tilespmem:$0x11000] =	vst v63  }
0x30: {  	v3 =	vld [tilespmem:s4+$0x10];
	_ =	sdelay $0x4  }
0x31: {  	v57 =	vshll.u32 v3, $0x3  }
0x32: {  	v3 =	vand.u32 $0x7, v3;
	v4 =	vand.u32 $0xFFFFFFC0, v57  }
0x33: {  	v3 =	vor.u32 v3, v4  }
0x34: {  	v4 =	vperm.xlane v3, v0;
	_ =	sdelay $0x1  }
0x35: {  	v4 =	vadd.s32 v1, v4;
	_ =	sdelay $0x4  }
0x36: {  	[tilespmem:s18], [sflag:$0x1] =	stream.indirect_vreg.gather [hbm4b:s3+s1], $0x80, v4, vm0, $0xb8;
	[tilespmem:$0x11000] =	vst v63  }
0x37: {  	v3 =	vperm.xlane v3, v2  }
0x38: {  	[tilespmem:s19], [sflag:$0x1] =	stream.indirect_vreg.gather [hbm4b:s8+s1], $0x80, v4, vm0, $0xb8;
	[tilespmem:$0x11000] =	vst v63  }
0x39: {  	v3 =	vadd.s32 v1, v3  }
0x3a: {  	[tilespmem:s20], [sflag:$0x1] =	stream.indirect_vreg.gather [hbm4b:s9+s1], $0x80, v4, vm0, $0xb8;
	[tilespmem:$0x11000] =	vst v63  }
0x3b: {  	_ = 	snop  }
0x3c: {  	[tilespmem:s21], [sflag:$0x1] =	stream.indirect_vreg.gather [hbm4b:s10+s1], $0x80, v4, vm0, $0xb8;
	[tilespmem:$0x11000] =	vst v63  }
0x3d: {  	_ = 	snop  }
0x3e: {  	[tilespmem:s22], [sflag:$0x1] =	stream.indirect_vreg.gather [hbm4b:s3+s1], $0x80, v3, vm0, $0xb8;
	[tilespmem:$0x11000] =	vst v63  }
0x3f: {  	_ = 	snop  }
0x40: {  	[tilespmem:s23], [sflag:$0x1] =	stream.indirect_vreg.gather [hbm4b:s8+s1], $0x80, v3, vm0, $0xb8;
	[tilespmem:$0x11000] =	vst v63  }
0x41: {  	_ = 	snop  }
0x42: {  	[tilespmem:s24], [sflag:$0x1] =	stream.indirect_vreg.gather [hbm4b:s9+s1], $0x80, v3, vm0, $0xb8;
	[tilespmem:$0x11000] =	vst v63  }
0x43: {  	s29 =	rddreg [dreg:$0x8]  }
0x44: {  	[tilespmem:s25], [sflag:$0x1] =	stream.indirect_vreg.gather [hbm4b:s10+s1], $0x80, v3, vm0, $0xb8;
	[tilespmem:$0x11000] =	vst v63  }
0x45: {  	v3 =	vld [tilespmem:s29+$0x0];
	_ =	sdelay $0x4  }
0x46: {  	v58 =	vshll.u32 v3, $0x3  }
0x47: {  	v3 =	vand.u32 $0x7, v3;
	v4 =	vand.u32 $0xFFFFFFC0, v58  }
0x48: {  	v3 =	vor.u32 v3, v4  }
0x49: {  	v4 =	vperm.xlane v3, v0;
	_ =	sdelay $0x1  }
0x4a: {  	v4 =	vadd.s32 v1, v4;
	_ =	sdelay $0x4  }
0x4b: {  	[tilespmem:s26], [sflag:$0x2] =	stream.indirect_vreg.gather [hbm4b:s3+s1], $0x80, v4, vm0, $0xb8;
	[tilespmem:$0x11000] =	vst v63  }
0x4c: {  	s4 =	simm.s32 $0x9800;
	v3 =	vperm.xlane v3, v2  }
0x4d: {  	[tilespmem:s4], [sflag:$0x2] =	stream.indirect_vreg.gather [hbm4b:s8+s1], $0x80, v4, vm0, $0xb8;
	[tilespmem:$0x11000] =	vst v63  }
0x4e: {  	v3 =	vadd.s32 v1, v3  }
0x4f: {  	[tilespmem:s6], [sflag:$0x2] =	stream.indirect_vreg.gather [hbm4b:s9+s1], $0x80, v4, vm0, $0xb8;
	[tilespmem:$0x11000] =	vst v63  }
0x50: {  	s4 =	simm.s32 $0xA800  }
0x51: {  	[tilespmem:s4], [sflag:$0x2] =	stream.indirect_vreg.gather [hbm4b:s10+s1], $0x80, v4, vm0, $0xb8;
	[tilespmem:$0x11000] =	vst v63  }
0x52: {  	_ = 	snop  }
0x53: {  	[tilespmem:s7], [sflag:$0x2] =	stream.indirect_vreg.gather [hbm4b:s3+s1], $0x80, v3, vm0, $0xb8;
	[tilespmem:$0x11000] =	vst v63  }
0x54: {  	_ = 	snop  }
0x55: {  	[tilespmem:s13], [sflag:$0x2] =	stream.indirect_vreg.gather [hbm4b:s8+s1], $0x80, v3, vm0, $0xb8;
	[tilespmem:$0x11000] =	vst v63  }
0x56: {  	s4 =	simm.s32 $0xC000  }
0x57: {  	[tilespmem:s4], [sflag:$0x2] =	stream.indirect_vreg.gather [hbm4b:s9+s1], $0x80, v3, vm0, $0xb8;
	[tilespmem:$0x11000] =	vst v63  }
0x58: {  	s4 =	simm.s32 $0xC800  }
0x59: {  	[tilespmem:s4], [sflag:$0x2] =	stream.indirect_vreg.gather [hbm4b:s10+s1], $0x80, v3, vm0, $0xb8;
	[tilespmem:$0x11000] =	vst v63  }
0x5a: {  	v3 =	vld [tilespmem:s29+$0x10];
	_ =	sdelay $0x4  }
0x5b: {  	v59 =	vshll.u32 v3, $0x3  }
0x5c: {  	v3 =	vand.u32 $0x7, v3;
	v4 =	vand.u32 $0xFFFFFFC0, v59  }
0x5d: {  	v3 =	vor.u32 v3, v4  }
0x5e: {  	v4 =	vperm.xlane v3, v0;
	_ =	sdelay $0x1  }
0x5f: {  	v4 =	vadd.s32 v1, v4;
	_ =	sdelay $0x3  }
0x60: {  	s29 =	simm.s32 $0xD000  }
0x61: {  	[tilespmem:s29], [sflag:$0x2] =	stream.indirect_vreg.gather [hbm4b:s3+s1], $0x80, v4, vm0, $0xb8;
	[tilespmem:$0x11000] =	vst v63  }
0x62: {  	v3 =	vperm.xlane v3, v2;
	s29 =	simm.s32 $0xD800  }
0x63: {  	[tilespmem:s29], [sflag:$0x2] =	stream.indirect_vreg.gather [hbm4b:s8+s1], $0x80, v4, vm0, $0xb8;
	[tilespmem:$0x11000] =	vst v63  }
0x64: {  	v3 =	vadd.s32 v1, v3;
	s29 =	simm.s32 $0xE000  }
0x65: {  	[tilespmem:s29], [sflag:$0x2] =	stream.indirect_vreg.gather [hbm4b:s9+s1], $0x80, v4, vm0, $0xb8;
	[tilespmem:$0x11000] =	vst v63  }
0x66: {  	s29 =	simm.s32 $0xE800  }
0x67: {  	[tilespmem:s29], [sflag:$0x2] =	stream.indirect_vreg.gather [hbm4b:s10+s1], $0x80, v4, vm0, $0xb8;
	[tilespmem:$0x11000] =	vst v63  }
0x68: {  	s29 =	simm.s32 $0xF000  }
0x69: {  	[tilespmem:s29], [sflag:$0x2] =	stream.indirect_vreg.gather [hbm4b:s3+s1], $0x80, v3, vm0, $0xb8;
	[tilespmem:$0x11000] =	vst v63  }
0x6a: {  	s29 =	simm.s32 $0xF800  }
0x6b: {  	[tilespmem:s29], [sflag:$0x2] =	stream.indirect_vreg.gather [hbm4b:s8+s1], $0x80, v3, vm0, $0xb8;
	[tilespmem:$0x11000] =	vst v63  }
0x6c: {  	s29 =	simm.s32 $0x10000  }
0x6d: {  	[tilespmem:s29], [sflag:$0x2] =	stream.indirect_vreg.gather [hbm4b:s9+s1], $0x80, v3, vm0, $0xb8;
	[tilespmem:$0x11000] =	vst v63  }
0x6e: {  	s29 =	simm.s32 $0x10800  }
0x6f: {  	[tilespmem:s29], [sflag:$0x2] =	stream.indirect_vreg.gather [hbm4b:s10+s1], $0x80, v3, vm0, $0xb8;
	[tilespmem:$0x11000] =	vst v63  }
0x70: {  	_ =	swait.ge [sflag:s5], $0x8000  }
0x71: {  	[sflag:s5] =	ssyncset.done $0x0  }
0x72: {  	s29 =	rddreg [dreg:$0x4];
	[sflag:s5] =	ssyncadd.s32 $0xFFFF8000  }
0x73: {  	[hbm4b:s29+s1] =	stream.linear.scatter [tilespmem:s30], [sflag:$0x3], $0x8000, $0x38;
	[tilespmem:$0x11000] =	vst v63  }
0x74: {  	_ =	swait.ge [sflag:s12], $0x8000  }
0x75: {  	[sflag:s12] =	ssyncset.done $0x0  }
0x76: {  	s29 =	rddreg [dreg:$0x9];
	[sflag:s12] =	ssyncadd.s32 $0xFFFF8000  }
0x77: {  	v3 =	vld [tilespmem:s29+$0x0];
	_ =	sdelay $0x4  }
0x78: {  	v60 =	vshll.u32 v3, $0x3  }
0x79: {  	v3 =	vand.u32 $0x7, v3;
	v4 =	vand.u32 $0xFFFFFFC0, v60  }
0x7a: {  	v3 =	vor.u32 v3, v4  }
0x7b: {  	v4 =	vperm.xlane v3, v0;
	_ =	sdelay $0x1  }
0x7c: {  	v4 =	vadd.s32 v1, v4;
	_ =	sdelay $0x4  }
0x7d: {  	[tilespmem:s30], [sflag:$0x1] =	stream.indirect_vreg.gather [hbm4b:s3+s1], $0x80, v4, vm0, $0xb8;
	[tilespmem:$0x11000] =	vst v63  }
0x7e: {  	v3 =	vperm.xlane v3, v2  }
0x7f: {  	[tilespmem:s31], [sflag:$0x1] =	stream.indirect_vreg.gather [hbm4b:s8+s1], $0x80, v4, vm0, $0xb8;
	[tilespmem:$0x11000] =	vst v63  }
0x80: {  	v3 =	vadd.s32 v1, v3  }
0x81: {  	[tilespmem:s0], [sflag:$0x1] =	stream.indirect_vreg.gather [hbm4b:s9+s1], $0x80, v4, vm0, $0xb8;
	[tilespmem:$0x11000] =	vst v63  }
0x82: {  	_ = 	snop  }
0x83: {  	[tilespmem:s2], [sflag:$0x1] =	stream.indirect_vreg.gather [hbm4b:s10+s1], $0x80, v4, vm0, $0xb8;
	[tilespmem:$0x11000] =	vst v63  }
0x84: {  	_ = 	snop  }
0x85: {  	[tilespmem:s14], [sflag:$0x1] =	stream.indirect_vreg.gather [hbm4b:s3+s1], $0x80, v3, vm0, $0xb8;
	[tilespmem:$0x11000] =	vst v63  }
0x86: {  	_ = 	snop  }
0x87: {  	[tilespmem:s15], [sflag:$0x1] =	stream.indirect_vreg.gather [hbm4b:s8+s1], $0x80, v3, vm0, $0xb8;
	[tilespmem:$0x11000] =	vst v63  }
0x88: {  	_ = 	snop  }
0x89: {  	[tilespmem:s16], [sflag:$0x1] =	stream.indirect_vreg.gather [hbm4b:s9+s1], $0x80, v3, vm0, $0xb8;
	[tilespmem:$0x11000] =	vst v63  }
0x8a: {  	_ = 	snop  }
0x8b: {  	[tilespmem:s17], [sflag:$0x1] =	stream.indirect_vreg.gather [hbm4b:s10+s1], $0x80, v3, vm0, $0xb8;
	[tilespmem:$0x11000] =	vst v63  }
0x8c: {  	v3 =	vld [tilespmem:s29+$0x10];
	_ =	sdelay $0x4  }
0x8d: {  	v61 =	vshll.u32 v3, $0x3  }
0x8e: {  	v3 =	vand.u32 $0x7, v3;
	v4 =	vand.u32 $0xFFFFFFC0, v61  }
0x8f: {  	v3 =	vor.u32 v3, v4  }
0x90: {  	v4 =	vperm.xlane v3, v0;
	_ =	sdelay $0x1  }
0x91: {  	v4 =	vadd.s32 v1, v4;
	_ =	sdelay $0x4  }
0x92: {  	[tilespmem:s18], [sflag:$0x1] =	stream.indirect_vreg.gather [hbm4b:s3+s1], $0x80, v4, vm0, $0xb8;
	[tilespmem:$0x11000] =	vst v63  }
0x93: {  	v3 =	vperm.xlane v3, v2  }
0x94: {  	[tilespmem:s19], [sflag:$0x1] =	stream.indirect_vreg.gather [hbm4b:s8+s1], $0x80, v4, vm0, $0xb8;
	[tilespmem:$0x11000] =	vst v63  }
0x95: {  	v3 =	vadd.s32 v1, v3  }
0x96: {  	[tilespmem:s20], [sflag:$0x1] =	stream.indirect_vreg.gather [hbm4b:s9+s1], $0x80, v4, vm0, $0xb8;
	[tilespmem:$0x11000] =	vst v63  }
0x97: {  	_ = 	snop  }
0x98: {  	[tilespmem:s21], [sflag:$0x1] =	stream.indirect_vreg.gather [hbm4b:s10+s1], $0x80, v4, vm0, $0xb8;
	[tilespmem:$0x11000] =	vst v63  }
0x99: {  	_ = 	snop  }
0x9a: {  	[tilespmem:s22], [sflag:$0x1] =	stream.indirect_vreg.gather [hbm4b:s3+s1], $0x80, v3, vm0, $0xb8;
	[tilespmem:$0x11000] =	vst v63  }
0x9b: {  	_ = 	snop  }
0x9c: {  	[tilespmem:s23], [sflag:$0x1] =	stream.indirect_vreg.gather [hbm4b:s8+s1], $0x80, v3, vm0, $0xb8;
	[tilespmem:$0x11000] =	vst v63  }
0x9d: {  	_ = 	snop  }
0x9e: {  	[tilespmem:s24], [sflag:$0x1] =	stream.indirect_vreg.gather [hbm4b:s9+s1], $0x80, v3, vm0, $0xb8;
	[tilespmem:$0x11000] =	vst v63  }
0x9f: {  	_ = 	snop  }
0xa0: {  	[tilespmem:s25], [sflag:$0x1] =	stream.indirect_vreg.gather [hbm4b:s10+s1], $0x80, v3, vm0, $0xb8;
	[tilespmem:$0x11000] =	vst v63  }
0xa1: {  	_ =	swait.ge [sflag:s28], $0x8000  }
0xa2: {  	[sflag:s28] =	ssyncset.done $0x0  }
0xa3: {  	s2 =	rddreg [dreg:$0x5];
	[sflag:s28] =	ssyncadd.s32 $0xFFFF8000  }
0xa4: {  	[hbm4b:s2+s1] =	stream.linear.scatter [tilespmem:s26], [sflag:$0x3], $0x8000, $0x38;
	[tilespmem:$0x11000] =	vst v63  }
0xa5: {  	_ =	swait.ge [sflag:s12], $0x8000  }
0xa6: {  	[sflag:s12] =	ssyncset.done $0x0  }
0xa7: {  	s0 =	rddreg [dreg:$0xb];
	[sflag:s12] =	ssyncadd.s32 $0xFFFF8000  }
0xa8: {  	v3 =	vld [tilespmem:s0+$0x0];
	_ =	sdelay $0x4  }
0xa9: {  	v62 =	vshll.u32 v3, $0x3  }
0xaa: {  	v3 =	vand.u32 $0x7, v3;
	v4 =	vand.u32 $0xFFFFFFC0, v62  }
0xab: {  	v3 =	vor.u32 v3, v4  }
0xac: {  	v4 =	vperm.xlane v3, v0;
	_ =	sdelay $0x1  }
0xad: {  	v4 =	vadd.s32 v1, v4;
	_ =	sdelay $0x4  }
0xae: {  	[tilespmem:s26], [sflag:$0x2] =	stream.indirect_vreg.gather [hbm4b:s3+s1], $0x80, v4, vm0, $0xb8;
	[tilespmem:$0x11000] =	vst v63  }
0xaf: {  	s29 =	simm.s32 $0x9800;
	v3 =	vperm.xlane v3, v2  }
0xb0: {  	[tilespmem:s29], [sflag:$0x2] =	stream.indirect_vreg.gather [hbm4b:s8+s1], $0x80, v4, vm0, $0xb8;
	[tilespmem:$0x11000] =	vst v63  }
0xb1: {  	v3 =	vadd.s32 v1, v3  }
0xb2: {  	[tilespmem:s6], [sflag:$0x2] =	stream.indirect_vreg.gather [hbm4b:s9+s1], $0x80, v4, vm0, $0xb8;
	[tilespmem:$0x11000] =	vst v63  }
0xb3: {  	s29 =	simm.s32 $0xA800  }
0xb4: {  	[tilespmem:s29], [sflag:$0x2] =	stream.indirect_vreg.gather [hbm4b:s10+s1], $0x80, v4, vm0, $0xb8;
	[tilespmem:$0x11000] =	vst v63  }
0xb5: {  	_ = 	snop  }
0xb6: {  	[tilespmem:s7], [sflag:$0x2] =	stream.indirect_vreg.gather [hbm4b:s3+s1], $0x80, v3, vm0, $0xb8;
	[tilespmem:$0x11000] =	vst v63  }
0xb7: {  	_ = 	snop  }
0xb8: {  	[tilespmem:s13], [sflag:$0x2] =	stream.indirect_vreg.gather [hbm4b:s8+s1], $0x80, v3, vm0, $0xb8;
	[tilespmem:$0x11000] =	vst v63  }
0xb9: {  	s29 =	simm.s32 $0xC000  }
0xba: {  	[tilespmem:s29], [sflag:$0x2] =	stream.indirect_vreg.gather [hbm4b:s9+s1], $0x80, v3, vm0, $0xb8;
	[tilespmem:$0x11000] =	vst v63  }
0xbb: {  	_ = 	snop  }
0xbc: {  	[tilespmem:s4], [sflag:$0x2] =	stream.indirect_vreg.gather [hbm4b:s10+s1], $0x80, v3, vm0, $0xb8;
	[tilespmem:$0x11000] =	vst v63  }
0xbd: {  	v3 =	vld [tilespmem:s0+$0x10];
	_ =	sdelay $0x4  }
0xbe: {  	v63 =	vshll.u32 v3, $0x3  }
0xbf: {  	v3 =	vand.u32 $0x7, v3;
	v4 =	vand.u32 $0xFFFFFFC0, v63  }
0xc0: {  	v3 =	vor.u32 v3, v4  }
0xc1: {  	v4 =	vperm.xlane v3, v0;
	_ =	sdelay $0x1  }
0xc2: {  	v4 =	vadd.s32 v1, v4;
	_ =	sdelay $0x3  }
0xc3: {  	s4 =	simm.s32 $0xD000  }
0xc4: {  	[tilespmem:s4], [sflag:$0x2] =	stream.indirect_vreg.gather [hbm4b:s3+s1], $0x80, v4, vm0, $0xb8;
	[tilespmem:$0x11000] =	vst v63  }
0xc5: {  	s29 =	simm.s32 $0xD800;
	v3 =	vperm.xlane v3, v2  }
0xc6: {  	[tilespmem:s29], [sflag:$0x2] =	stream.indirect_vreg.gather [hbm4b:s8+s1], $0x80, v4, vm0, $0xb8;
	[tilespmem:$0x11000] =	vst v63  }
0xc7: {  	s2 =	simm.s32 $0xE000;
	v3 =	vadd.s32 v1, v3  }
0xc8: {  	[tilespmem:s2], [sflag:$0x2] =	stream.indirect_vreg.gather [hbm4b:s9+s1], $0x80, v4, vm0, $0xb8;
	[tilespmem:$0x11000] =	vst v63  }
0xc9: {  	s4 =	simm.s32 $0xE800  }
0xca: {  	[tilespmem:s4], [sflag:$0x2] =	stream.indirect_vreg.gather [hbm4b:s10+s1], $0x80, v4, vm0, $0xb8;
	[tilespmem:$0x11000] =	vst v63  }
0xcb: {  	s29 =	simm.s32 $0xF000  }
0xcc: {  	[tilespmem:s29], [sflag:$0x2] =	stream.indirect_vreg.gather [hbm4b:s3+s1], $0x80, v3, vm0, $0xb8;
	[tilespmem:$0x11000] =	vst v63  }
0xcd: {  	s2 =	simm.s32 $0xF800  }
0xce: {  	[tilespmem:s2], [sflag:$0x2] =	stream.indirect_vreg.gather [hbm4b:s8+s1], $0x80, v3, vm0, $0xb8;
	[tilespmem:$0x11000] =	vst v63  }
0xcf: {  	s4 =	simm.s32 $0x10000  }
0xd0: {  	[tilespmem:s4], [sflag:$0x2] =	stream.indirect_vreg.gather [hbm4b:s9+s1], $0x80, v3, vm0, $0xb8;
	[tilespmem:$0x11000] =	vst v63  }
0xd1: {  	s29 =	simm.s32 $0x10800  }
0xd2: {  	[tilespmem:s29], [sflag:$0x2] =	stream.indirect_vreg.gather [hbm4b:s10+s1], $0x80, v3, vm0, $0xb8;
	[tilespmem:$0x11000] =	vst v63  }
0xd3: {  	_ =	swait.ge [sflag:s5], $0x8000  }
0xd4: {  	[sflag:s5] =	ssyncset.done $0x0  }
0xd5: {  	s2 =	rddreg [dreg:$0x6];
	[sflag:s5] =	ssyncadd.s32 $0xFFFF8000  }
0xd6: {  	[hbm4b:s2+s1] =	stream.linear.scatter [tilespmem:s30], [sflag:$0x3], $0x8000, $0x38;
	[tilespmem:$0x11000] =	vst v63  }
0xd7: {  	_ =	swait.ge [sflag:s12], $0x8000  }
0xd8: {  	[sflag:s12] =	ssyncset.done $0x0  }
0xd9: {  	[sflag:s12] =	ssyncadd.s32 $0xFFFF8000  }
0xda: {  	_ =	swait.ge [sflag:s28], $0x8000  }
0xdb: {  	p0 =	sne.s32 s11, $0x1;
	[sflag:s28] =	ssyncset.done $0x0  }
.Ltmp0:
0xdc: {  	s4 =	rddreg [dreg:$0x7];
	[sflag:s28] =	ssyncadd.s32 $0xFFFF8000;
	(pc) =	sbr.rel @p0 .LBB2_1-.Ltmp0, $4  }
0xdd: {  	[hbm4b:s4+s1] =	stream.linear.scatter [tilespmem:s26], [sflag:$0x3], $0x8000, $0x38;
	[tilespmem:$0x11000] =	vst v63  }
0xde: {  	_ =	swait.ge [sflag:s12], $0x8000  }
0xdf: {  	[sflag:s12] =	ssyncset.done $0x0  }
0xe0: {  	s11 =	sadd.s32 $0xFFFFFFFF, s11;
	[sflag:s12] =	ssyncadd.s32 $0xFFFF8000  }
0xe1: {  	_ =	sfence.sel $0x180000  }
0xe2: {  	[bflag:$0x0] =	sbarrier.arrive $0xFFFF  }
0xe3: {  	_ =	strace $0x9000004A  }
0xe4: {  	s0 =	stileid.u32;
	[bflag:$0x2] =	sbarrier.arrive $0xFFFF  }
0xe5: {  	p0 =	sne.s32 s0, $0x0;
	s0 =	rddreg [dreg:$0x2]  }
0xe6: {  	s0 =	sadd.s32 @!p0 $0x100000, s0  }
0xe7: {  	[sflag:s0] =	ssyncadd.tile.s32 @!p0 $0x1;
	_ =	shalt  }
.Lfunc_end2:
_tile_overlayer_lowered:
.L_overlay_start_2:
0xe8: {  	(tag) =	ssettag $0x2  }
0xe9: {  	s0 =	rddreg [dreg:$0x0];
	s2 =	stileid.u32  }
0xea: {  	s1 =	rddreg [dreg:$0x1];
	p0 =	sne.s32 s2, $0x0  }
0xeb: {  	s3 =	rddreg [dreg:$0x2];
	[bflag:$0x3] =	sbarrier.arrive $0xFFFF;
	s2 =	simm.s32 @!p0 $0x1C03  }
0xec: {  	[timem:s3], [sflag:s2] =	dma.local @!p0 [hbm:s0], s1  }
0xed: {  	s0 =	simm.s32 @!p0 $0x3  }
0xee: {  	_ =	swait.ge @!p0 [sflag:s0], s1  }
0xef: {  	s1 =	ssub.s32 @!p0 $0x0, s1;
	[sflag:s0] =	ssyncset.done @!p0 $0x0  }
0xf0: {  	[sflag:s0] =	ssyncadd.s32 @!p0 s1  }
0xf1: {  	[bflag:$0x3] =	sbarrier.arrive $0xFFFF  }
0xf2: {  	_ =	shalt  }

</sc_bundles>
